<compile_context>
chip_gen: v7x
topology: tpu7x:2x2x1
jax: 0.10.2.dev20260603
libtpu: 0.0.44.dev20260713+nightly
codegen_flags: <defaults>
</compile_context>

<pallas_src>
import functools

import jax
import jax.numpy as jnp
from jax import lax
from jax.experimental import pallas as pl
from jax.experimental.pallas import tpu as pltpu
from jax.experimental.pallas import tpu_sc as plsc

NB = 1000
RANK = 16
BATCH = 16384
L = 16

_NC = 2
_NS = 16
_NW = _NC * _NS
_BPW = BATCH // _NW
_STD_PAD = 1024


def _body(cf_hbm, std_hbm, x_hbm, y_hbm, out_hbm, tab_v, std_v, x_v, y_v, o_v,
          sem):
    wid = lax.axis_index("s") * _NC + lax.axis_index("c")
    base = wid * _BPW

    c1 = pltpu.async_copy(cf_hbm, tab_v, sem)
    c2 = pltpu.async_copy(std_hbm, std_v, sem)
    c3 = pltpu.async_copy(x_hbm.at[pl.ds(base, _BPW)], x_v, sem)
    c4 = pltpu.async_copy(y_hbm.at[pl.ds(base, _BPW)], y_v, sem)
    c1.wait()
    c2.wait()
    c3.wait()
    c4.wait()

    lane = lax.iota(jnp.int32, L)
    @plsc.parallel_loop(0, _BPW, step=L, unroll=2)
    def chunk_body(off):
        xv = x_v[pl.ds(off, L)]
        yv = y_v[pl.ds(off, L)]
        xo_vec = xv << 4
        yo_vec = yv << 4
        acc = jnp.zeros((L,), jnp.float32)
        for j in range(L):
            xrow = tab_v[pl.ds(xo_vec[j], L)]
            yrow = tab_v[pl.ds(yo_vec[j], L)]
            t = xrow * yrow
            pair_sum = jnp.sum(t * t)
            acc = jnp.where(lane == j, jnp.full((L,), pair_sum, jnp.float32),
                            acc)
        s = plsc.load_gather(std_v, [xv])
        diag = jnp.where(xv == yv, s * s, jnp.zeros((L,), jnp.float32))
        o_v[pl.ds(off, L)] = acc + diag

    pltpu.sync_copy(o_v, out_hbm.at[pl.ds(base, _BPW)])


def kernel(x, y, sqrt_covar_factor, std):
    cf_flat = sqrt_covar_factor.reshape(-1)
    std_pad = jnp.zeros((_STD_PAD,), jnp.float32).at[:NB].set(std)
    mesh = plsc.VectorSubcoreMesh(core_axis_name="c", subcore_axis_name="s")
    run = functools.partial(
        pl.kernel,
        mesh=mesh,
        compiler_params=pltpu.CompilerParams(needs_layout_passes=False),
        out_type=jax.ShapeDtypeStruct((BATCH,), jnp.float32),
        scratch_types=[
            pltpu.VMEM((NB * RANK,), jnp.float32),
            pltpu.VMEM((_STD_PAD,), jnp.float32),
            pltpu.VMEM((_BPW,), jnp.int32),
            pltpu.VMEM((_BPW,), jnp.int32),
            pltpu.VMEM((_BPW,), jnp.float32),
            pltpu.SemaphoreType.DMA,
        ],
    )(_body)
    return run(cf_flat, std_pad, x, y)

# --- scband reference (transcript-rebuilt; emitter-appended) ---
"""Pipeline reference for scband-index-kernel-single-18021682774476 (READ-ONLY COPY).

The authoritative reference and input builder live on the scoring server;
editing this copy changes nothing except your own understanding.
"""

import jax, jax.numpy as jnp
import numpy as np

NB_CATEGORY = 1000
RANK = 16
FRACTION_DIAGONAL = 0.9
BATCH = 16384


def setup_inputs(seed: int = 0) -> dict:
    key = jax.random.key(seed)
    k1, k2 = jax.random.split(key)
    x = jax.random.randint(k1, (BATCH,), 0, NB_CATEGORY, dtype=jnp.int32)
    y = jax.random.randint(k2, (BATCH,), 0, NB_CATEGORY, dtype=jnp.int32)
    # Learned parameters, initialized exactly as in the torch module's __init__
    w = np.sqrt((1.0 - FRACTION_DIAGONAL) / np.sqrt(RANK))
    sqrt_covar_factor = (w * jnp.ones((NB_CATEGORY, RANK))).astype(jnp.float32)
    std = (FRACTION_DIAGONAL * jnp.ones((NB_CATEGORY,))).astype(jnp.float32)
    return {"x": x, "y": y, "sqrt_covar_factor": sqrt_covar_factor, "std": std}


def reference(x, y, sqrt_covar_factor, std):
    # covar_factor = sqrt_covar_factor ** 2
    covar_factor = sqrt_covar_factor * sqrt_covar_factor
    # full covariance matrix [nb_category, nb_category]
    covariance = jnp.matmul(covar_factor, covar_factor.T)
    # add std^2 on the diagonal (torch: covariance.diagonal().add_(std*std))
    covariance = covariance + jnp.diag(std * std)
    # gather covariance[x, y] -> shape [batch]
    return covariance[x, y]

if __name__ == "__main__":
    import jax
    _d = setup_inputs()
    print(jax.jit(kernel)(*tuple(_d.values())))

</pallas_src>

<mosaic_0001>
#map = affine_map<(d0, d1) -> (0)>
module attributes {stable_mosaic.version = 14 : i64} {
  func.func @_body(%arg0: i32, %arg1: i32, %arg2: memref<16000xf32, #tpu.memory_space<hbm>>, %arg3: memref<1024xf32, #tpu.memory_space<hbm>>, %arg4: memref<16384xi32, #tpu.memory_space<hbm>>, %arg5: memref<16384xi32, #tpu.memory_space<hbm>>, %arg6: memref<16384xf32, #tpu.memory_space<hbm>>, %arg7: memref<16000xf32, #tpu.memory_space<vmem>>, %arg8: memref<1024xf32, #tpu.memory_space<vmem>>, %arg9: memref<512xi32, #tpu.memory_space<vmem>>, %arg10: memref<512xi32, #tpu.memory_space<vmem>>, %arg11: memref<512xf32, #tpu.memory_space<vmem>>, %arg12: memref<!tpu.dma_semaphore, #tpu.memory_space<semaphore_mem>>) attributes {dimension_semantics = [#tpu.dimension_semantics<core_parallel>, #tpu.dimension_semantics<subcore_parallel>], iteration_bounds = array<i64: 2, 16>, scalar_prefetch = 0 : i64, scratch_operands = 6 : i64, tpu.core_type = #tpu.core_type<sc_vector_subcore>, window_params = [{transform_indices = #map}, {transform_indices = #map}, {transform_indices = #map}, {transform_indices = #map}, {transform_indices = #map}]} {
    %mul3A = arith.constant 2 : i32
    %mul3A_0 = arith.muli %arg1, %mul3A : i32
    %add3A = arith.addi %mul3A_0, %arg0 : i32
    %mul3A_1 = arith.constant 512 : i32
    %mul3A_2 = arith.muli %add3A, %mul3A_1 : i32
    tpu.enqueue_dma source(%arg2 : memref<16000xf32, #tpu.memory_space<hbm>>) target(%arg7 : memref<16000xf32, #tpu.memory_space<vmem>>) target_semaphore(%arg12 : memref<!tpu.dma_semaphore, #tpu.memory_space<semaphore_mem>>)
    tpu.enqueue_dma source(%arg3 : memref<1024xf32, #tpu.memory_space<hbm>>) target(%arg8 : memref<1024xf32, #tpu.memory_space<vmem>>) target_semaphore(%arg12 : memref<!tpu.dma_semaphore, #tpu.memory_space<semaphore_mem>>)
    %dma_start3A = tpu.memref_slice %arg4[%mul3A_2] : memref<16384xi32, #tpu.memory_space<hbm>> -> memref<512xi32, #tpu.memory_space<hbm>>
    %dma_start3A_3 = tpu.memref_slice %arg4[%mul3A_2] : memref<16384xi32, #tpu.memory_space<hbm>> -> memref<512xi32, #tpu.memory_space<hbm>>
    tpu.enqueue_dma source(%dma_start3A_3 : memref<512xi32, #tpu.memory_space<hbm>>) target(%arg9 : memref<512xi32, #tpu.memory_space<vmem>>) target_semaphore(%arg12 : memref<!tpu.dma_semaphore, #tpu.memory_space<semaphore_mem>>)
    %dma_start3A_4 = tpu.memref_slice %arg5[%mul3A_2] : memref<16384xi32, #tpu.memory_space<hbm>> -> memref<512xi32, #tpu.memory_space<hbm>>
    %dma_start3A_5 = tpu.memref_slice %arg5[%mul3A_2] : memref<16384xi32, #tpu.memory_space<hbm>> -> memref<512xi32, #tpu.memory_space<hbm>>
    tpu.enqueue_dma source(%dma_start3A_5 : memref<512xi32, #tpu.memory_space<hbm>>) target(%arg10 : memref<512xi32, #tpu.memory_space<vmem>>) target_semaphore(%arg12 : memref<!tpu.dma_semaphore, #tpu.memory_space<semaphore_mem>>)
    tpu.wait_dma2 semaphore(%arg12 : memref<!tpu.dma_semaphore, #tpu.memory_space<semaphore_mem>>) src(%arg2 : memref<16000xf32, #tpu.memory_space<hbm>>) dst(%arg7 : memref<16000xf32, #tpu.memory_space<vmem>>)
    tpu.wait_dma2 semaphore(%arg12 : memref<!tpu.dma_semaphore, #tpu.memory_space<semaphore_mem>>) src(%arg3 : memref<1024xf32, #tpu.memory_space<hbm>>) dst(%arg8 : memref<1024xf32, #tpu.memory_space<vmem>>)
    %dma_wait3A = tpu.memref_slice %arg4[%mul3A_2] : memref<16384xi32, #tpu.memory_space<hbm>> -> memref<512xi32, #tpu.memory_space<hbm>>
    %dma_wait3A_6 = tpu.memref_slice %arg4[%mul3A_2] : memref<16384xi32, #tpu.memory_space<hbm>> -> memref<512xi32, #tpu.memory_space<hbm>>
    tpu.wait_dma2 semaphore(%arg12 : memref<!tpu.dma_semaphore, #tpu.memory_space<semaphore_mem>>) src(%dma_wait3A_6 : memref<512xi32, #tpu.memory_space<hbm>>) dst(%arg9 : memref<512xi32, #tpu.memory_space<vmem>>)
    %dma_wait3A_7 = tpu.memref_slice %arg5[%mul3A_2] : memref<16384xi32, #tpu.memory_space<hbm>> -> memref<512xi32, #tpu.memory_space<hbm>>
    %dma_wait3A_8 = tpu.memref_slice %arg5[%mul3A_2] : memref<16384xi32, #tpu.memory_space<hbm>> -> memref<512xi32, #tpu.memory_space<hbm>>
    tpu.wait_dma2 semaphore(%arg12 : memref<!tpu.dma_semaphore, #tpu.memory_space<semaphore_mem>>) src(%dma_wait3A_8 : memref<512xi32, #tpu.memory_space<hbm>>) dst(%arg10 : memref<512xi32, #tpu.memory_space<vmem>>)
    %iota3A = tpu.iota {dimensions = array<i32: 0>} : vector<16xi32>
    %parallel_loop3A = arith.constant 0 : i32
    %parallel_loop3A_9 = arith.constant 512 : i32
    %parallel_loop3A_10 = arith.constant 16 : i32
    scf.for %parallel_loop3A_11 = %parallel_loop3A to %parallel_loop3A_9 step %parallel_loop3A_10  : i32 {
      %parallel_loop3A_12 = arith.index_cast %parallel_loop3A_11 : i32 to index
      %parallel_loop3A_13 = tpu.vector_load %arg9[%parallel_loop3A_12] {strides = array<i32>} : memref<512xi32, #tpu.memory_space<vmem>>, vector<16xi32>,
      %parallel_loop3A_14 = arith.index_cast %parallel_loop3A_11 : i32 to index
      %parallel_loop3A_15 = tpu.vector_load %arg10[%parallel_loop3A_14] {strides = array<i32>} : memref<512xi32, #tpu.memory_space<vmem>>, vector<16xi32>,
      %parallel_loop3A_16 = arith.constant 4 : i32
      %parallel_loop3A_17 = vector.broadcast %parallel_loop3A_16 : i32 to vector<16xi32>
      %parallel_loop3A_18 = arith.shli %parallel_loop3A_13, %parallel_loop3A_17 : vector<16xi32>
      %parallel_loop3A_19 = arith.constant 4 : i32
      %parallel_loop3A_20 = vector.broadcast %parallel_loop3A_19 : i32 to vector<16xi32>
      %parallel_loop3A_21 = arith.shli %parallel_loop3A_15, %parallel_loop3A_20 : vector<16xi32>
      %parallel_loop3A_22 = arith.constant 0.000000e+00 : f32
      %parallel_loop3A_23 = vector.broadcast %parallel_loop3A_22 : f32 to vector<16xf32>
      %parallel_loop3A_24 = vector.extract_strided_slice %parallel_loop3A_18 {offsets = [0], sizes = [1], strides = [1]} : vector<16xi32> to vector<1xi32>
      %parallel_loop3A_25 = vector.extract %parallel_loop3A_24[0] : i32 from vector<1xi32>
      %parallel_loop3A_26 = arith.index_cast %parallel_loop3A_25 : i32 to index
      %parallel_loop3A_27 = tpu.vector_load %arg7[%parallel_loop3A_26] {strides = array<i32>} : memref<16000xf32, #tpu.memory_space<vmem>>, vector<16xf32>,
      %parallel_loop3A_28 = vector.extract_strided_slice %parallel_loop3A_21 {offsets = [0], sizes = [1], strides = [1]} : vector<16xi32> to vector<1xi32>
      %parallel_loop3A_29 = vector.extract %parallel_loop3A_28[0] : i32 from vector<1xi32>
      %parallel_loop3A_30 = arith.index_cast %parallel_loop3A_29 : i32 to index
      %parallel_loop3A_31 = tpu.vector_load %arg7[%parallel_loop3A_30] {strides = array<i32>} : memref<16000xf32, #tpu.memory_space<vmem>>, vector<16xf32>,
      %parallel_loop3A_32 = arith.mulf %parallel_loop3A_27, %parallel_loop3A_31 : vector<16xf32>
      %parallel_loop3A_33 = arith.mulf %parallel_loop3A_32, %parallel_loop3A_32 : vector<16xf32>
      %parallel_loop3A_34 = arith.constant true
      %parallel_loop3A_35 = vector.broadcast %parallel_loop3A_34 : i1 to vector<16xi1>
      %parallel_loop3A_36 = tpu.scan <sum>, %parallel_loop3A_33 masked %parallel_loop3A_35 : vector<16xf32>, vector<16xi1> -> vector<16xf32>
      %parallel_loop3A_37 = vector.extract %parallel_loop3A_36[15] : f32 from vector<16xf32>
      %parallel_loop3A_38 = arith.constant 0 : i32
      %parallel_loop3A_39 = vector.broadcast %parallel_loop3A_38 : i32 to vector<16xi32>
      %parallel_loop3A_40 = arith.cmpi eq, %iota3A, %parallel_loop3A_39 : vector<16xi32>
      %parallel_loop3A_41 = vector.broadcast %parallel_loop3A_37 : f32 to vector<16xf32>
      %parallel_loop3A_42 = arith.select %parallel_loop3A_40, %parallel_loop3A_41, %parallel_loop3A_23 : vector<16xi1>, vector<16xf32>
      %parallel_loop3A_43 = vector.extract_strided_slice %parallel_loop3A_18 {offsets = [1], sizes = [1], strides = [1]} : vector<16xi32> to vector<1xi32>
      %parallel_loop3A_44 = vector.extract %parallel_loop3A_43[0] : i32 from vector<1xi32>
      %parallel_loop3A_45 = arith.index_cast %parallel_loop3A_44 : i32 to index
      %parallel_loop3A_46 = tpu.vector_load %arg7[%parallel_loop3A_45] {strides = array<i32>} : memref<16000xf32, #tpu.memory_space<vmem>>, vector<16xf32>,
      %parallel_loop3A_47 = vector.extract_strided_slice %parallel_loop3A_21 {offsets = [1], sizes = [1], strides = [1]} : vector<16xi32> to vector<1xi32>
      %parallel_loop3A_48 = vector.extract %parallel_loop3A_47[0] : i32 from vector<1xi32>
      %parallel_loop3A_49 = arith.index_cast %parallel_loop3A_48 : i32 to index
      %parallel_loop3A_50 = tpu.vector_load %arg7[%parallel_loop3A_49] {strides = array<i32>} : memref<16000xf32, #tpu.memory_space<vmem>>, vector<16xf32>,
      %parallel_loop3A_51 = arith.mulf %parallel_loop3A_46, %parallel_loop3A_50 : vector<16xf32>
      %parallel_loop3A_52 = arith.mulf %parallel_loop3A_51, %parallel_loop3A_51 : vector<16xf32>
      %parallel_loop3A_53 = arith.constant true
      %parallel_loop3A_54 = vector.broadcast %parallel_loop3A_53 : i1 to vector<16xi1>
      %parallel_loop3A_55 = tpu.scan <sum>, %parallel_loop3A_52 masked %parallel_loop3A_54 : vector<16xf32>, vector<16xi1> -> vector<16xf32>
      %parallel_loop3A_56 = vector.extract %parallel_loop3A_55[15] : f32 from vector<16xf32>
      %parallel_loop3A_57 = arith.constant 1 : i32
      %parallel_loop3A_58 = vector.broadcast %parallel_loop3A_57 : i32 to vector<16xi32>
      %parallel_loop3A_59 = arith.cmpi eq, %iota3A, %parallel_loop3A_58 : vector<16xi32>
      %parallel_loop3A_60 = vector.broadcast %parallel_loop3A_56 : f32 to vector<16xf32>
      %parallel_loop3A_61 = arith.select %parallel_loop3A_59, %parallel_loop3A_60, %parallel_loop3A_42 : vector<16xi1>, vector<16xf32>
      %parallel_loop3A_62 = vector.extract_strided_slice %parallel_loop3A_18 {offsets = [2], sizes = [1], strides = [1]} : vector<16xi32> to vector<1xi32>
      %parallel_loop3A_63 = vector.extract %parallel_loop3A_62[0] : i32 from vector<1xi32>
      %parallel_loop3A_64 = arith.index_cast %parallel_loop3A_63 : i32 to index
      %parallel_loop3A_65 = tpu.vector_load %arg7[%parallel_loop3A_64] {strides = array<i32>} : memref<16000xf32, #tpu.memory_space<vmem>>, vector<16xf32>,
      %parallel_loop3A_66 = vector.extract_strided_slice %parallel_loop3A_21 {offsets = [2], sizes = [1], strides = [1]} : vector<16xi32> to vector<1xi32>
      %parallel_loop3A_67 = vector.extract %parallel_loop3A_66[0] : i32 from vector<1xi32>
      %parallel_loop3A_68 = arith.index_cast %parallel_loop3A_67 : i32 to index
      %parallel_loop3A_69 = tpu.vector_load %arg7[%parallel_loop3A_68] {strides = array<i32>} : memref<16000xf32, #tpu.memory_space<vmem>>, vector<16xf32>,
      %parallel_loop3A_70 = arith.mulf %parallel_loop3A_65, %parallel_loop3A_69 : vector<16xf32>
      %parallel_loop3A_71 = arith.mulf %parallel_loop3A_70, %parallel_loop3A_70 : vector<16xf32>
      %parallel_loop3A_72 = arith.constant true
      %parallel_loop3A_73 = vector.broadcast %parallel_loop3A_72 : i1 to vector<16xi1>
      %parallel_loop3A_74 = tpu.scan <sum>, %parallel_loop3A_71 masked %parallel_loop3A_73 : vector<16xf32>, vector<16xi1> -> vector<16xf32>
      %parallel_loop3A_75 = vector.extract %parallel_loop3A_74[15] : f32 from vector<16xf32>
      %parallel_loop3A_76 = arith.constant 2 : i32
      %parallel_loop3A_77 = vector.broadcast %parallel_loop3A_76 : i32 to vector<16xi32>
      %parallel_loop3A_78 = arith.cmpi eq, %iota3A, %parallel_loop3A_77 : vector<16xi32>
      %parallel_loop3A_79 = vector.broadcast %parallel_loop3A_75 : f32 to vector<16xf32>
      %parallel_loop3A_80 = arith.select %parallel_loop3A_78, %parallel_loop3A_79, %parallel_loop3A_61 : vector<16xi1>, vector<16xf32>
      %parallel_loop3A_81 = vector.extract_strided_slice %parallel_loop3A_18 {offsets = [3], sizes = [1], strides = [1]} : vector<16xi32> to vector<1xi32>
      %parallel_loop3A_82 = vector.extract %parallel_loop3A_81[0] : i32 from vector<1xi32>
      %parallel_loop3A_83 = arith.index_cast %parallel_loop3A_82 : i32 to index
      %parallel_loop3A_84 = tpu.vector_load %arg7[%parallel_loop3A_83] {strides = array<i32>} : memref<16000xf32, #tpu.memory_space<vmem>>, vector<16xf32>,
      %parallel_loop3A_85 = vector.extract_strided_slice %parallel_loop3A_21 {offsets = [3], sizes = [1], strides = [1]} : vector<16xi32> to vector<1xi32>
      %parallel_loop3A_86 = vector.extract %parallel_loop3A_85[0] : i32 from vector<1xi32>
      %parallel_loop3A_87 = arith.index_cast %parallel_loop3A_86 : i32 to index
      %parallel_loop3A_88 = tpu.vector_load %arg7[%parallel_loop3A_87] {strides = array<i32>} : memref<16000xf32, #tpu.memory_space<vmem>>, vector<16xf32>,
      %parallel_loop3A_89 = arith.mulf %parallel_loop3A_84, %parallel_loop3A_88 : vector<16xf32>
      %parallel_loop3A_90 = arith.mulf %parallel_loop3A_89, %parallel_loop3A_89 : vector<16xf32>
      %parallel_loop3A_91 = arith.constant true
      %parallel_loop3A_92 = vector.broadcast %parallel_loop3A_91 : i1 to vector<16xi1>
      %parallel_loop3A_93 = tpu.scan <sum>, %parallel_loop3A_90 masked %parallel_loop3A_92 : vector<16xf32>, vector<16xi1> -> vector<16xf32>
      %parallel_loop3A_94 = vector.extract %parallel_loop3A_93[15] : f32 from vector<16xf32>
      %parallel_loop3A_95 = arith.constant 3 : i32
      %parallel_loop3A_96 = vector.broadcast %parallel_loop3A_95 : i32 to vector<16xi32>
      %parallel_loop3A_97 = arith.cmpi eq, %iota3A, %parallel_loop3A_96 : vector<16xi32>
      %parallel_loop3A_98 = vector.broadcast %parallel_loop3A_94 : f32 to vector<16xf32>
      %parallel_loop3A_99 = arith.select %parallel_loop3A_97, %parallel_loop3A_98, %parallel_loop3A_80 : vector<16xi1>, vector<16xf32>
      %parallel_loop3A_100 = vector.extract_strided_slice %parallel_loop3A_18 {offsets = [4], sizes = [1], strides = [1]} : vector<16xi32> to vector<1xi32>
      %parallel_loop3A_101 = vector.extract %parallel_loop3A_100[0] : i32 from vector<1xi32>
      %parallel_loop3A_102 = arith.index_cast %parallel_loop3A_101 : i32 to index
      %parallel_loop3A_103 = tpu.vector_load %arg7[%parallel_loop3A_102] {strides = array<i32>} : memref<16000xf32, #tpu.memory_space<vmem>>, vector<16xf32>,
      %parallel_loop3A_104 = vector.extract_strided_slice %parallel_loop3A_21 {offsets = [4], sizes = [1], strides = [1]} : vector<16xi32> to vector<1xi32>
      %parallel_loop3A_105 = vector.extract %parallel_loop3A_104[0] : i32 from vector<1xi32>
      %parallel_loop3A_106 = arith.index_cast %parallel_loop3A_105 : i32 to index
      %parallel_loop3A_107 = tpu.vector_load %arg7[%parallel_loop3A_106] {strides = array<i32>} : memref<16000xf32, #tpu.memory_space<vmem>>, vector<16xf32>,
      %parallel_loop3A_108 = arith.mulf %parallel_loop3A_103, %parallel_loop3A_107 : vector<16xf32>
      %parallel_loop3A_109 = arith.mulf %parallel_loop3A_108, %parallel_loop3A_108 : vector<16xf32>
      %parallel_loop3A_110 = arith.constant true
      %parallel_loop3A_111 = vector.broadcast %parallel_loop3A_110 : i1 to vector<16xi1>
      %parallel_loop3A_112 = tpu.scan <sum>, %parallel_loop3A_109 masked %parallel_loop3A_111 : vector<16xf32>, vector<16xi1> -> vector<16xf32>
      %parallel_loop3A_113 = vector.extract %parallel_loop3A_112[15] : f32 from vector<16xf32>
      %parallel_loop3A_114 = arith.constant 4 : i32
      %parallel_loop3A_115 = vector.broadcast %parallel_loop3A_114 : i32 to vector<16xi32>
      %parallel_loop3A_116 = arith.cmpi eq, %iota3A, %parallel_loop3A_115 : vector<16xi32>
      %parallel_loop3A_117 = vector.broadcast %parallel_loop3A_113 : f32 to vector<16xf32>
      %parallel_loop3A_118 = arith.select %parallel_loop3A_116, %parallel_loop3A_117, %parallel_loop3A_99 : vector<16xi1>, vector<16xf32>
      %parallel_loop3A_119 = vector.extract_strided_slice %parallel_loop3A_18 {offsets = [5], sizes = [1], strides = [1]} : vector<16xi32> to vector<1xi32>
      %parallel_loop3A_120 = vector.extract %parallel_loop3A_119[0] : i32 from vector<1xi32>
      %parallel_loop3A_121 = arith.index_cast %parallel_loop3A_120 : i32 to index
      %parallel_loop3A_122 = tpu.vector_load %arg7[%parallel_loop3A_121] {strides = array<i32>} : memref<16000xf32, #tpu.memory_space<vmem>>, vector<16xf32>,
      %parallel_loop3A_123 = vector.extract_strided_slice %parallel_loop3A_21 {offsets = [5], sizes = [1], strides = [1]} : vector<16xi32> to vector<1xi32>
      %parallel_loop3A_124 = vector.extract %parallel_loop3A_123[0] : i32 from vector<1xi32>
      %parallel_loop3A_125 = arith.index_cast %parallel_loop3A_124 : i32 to index
      %parallel_loop3A_126 = tpu.vector_load %arg7[%parallel_loop3A_125] {strides = array<i32>} : memref<16000xf32, #tpu.memory_space<vmem>>, vector<16xf32>,
      %parallel_loop3A_127 = arith.mulf %parallel_loop3A_122, %parallel_loop3A_126 : vector<16xf32>
      %parallel_loop3A_128 = arith.mulf %parallel_loop3A_127, %parallel_loop3A_127 : vector<16xf32>
      %parallel_loop3A_129 = arith.constant true
      %parallel_loop3A_130 = vector.broadcast %parallel_loop3A_129 : i1 to vector<16xi1>
      %parallel_loop3A_131 = tpu.scan <sum>, %parallel_loop3A_128 masked %parallel_loop3A_130 : vector<16xf32>, vector<16xi1> -> vector<16xf32>
      %parallel_loop3A_132 = vector.extract %parallel_loop3A_131[15] : f32 from vector<16xf32>
      %parallel_loop3A_133 = arith.constant 5 : i32
      %parallel_loop3A_134 = vector.broadcast %parallel_loop3A_133 : i32 to vector<16xi32>
      %parallel_loop3A_135 = arith.cmpi eq, %iota3A, %parallel_loop3A_134 : vector<16xi32>
      %parallel_loop3A_136 = vector.broadcast %parallel_loop3A_132 : f32 to vector<16xf32>
      %parallel_loop3A_137 = arith.select %parallel_loop3A_135, %parallel_loop3A_136, %parallel_loop3A_118 : vector<16xi1>, vector<16xf32>
      %parallel_loop3A_138 = vector.extract_strided_slice %parallel_loop3A_18 {offsets = [6], sizes = [1], strides = [1]} : vector<16xi32> to vector<1xi32>
      %parallel_loop3A_139 = vector.extract %parallel_loop3A_138[0] : i32 from vector<1xi32>
      %parallel_loop3A_140 = arith.index_cast %parallel_loop3A_139 : i32 to index
      %parallel_loop3A_141 = tpu.vector_load %arg7[%parallel_loop3A_140] {strides = array<i32>} : memref<16000xf32, #tpu.memory_space<vmem>>, vector<16xf32>,
      %parallel_loop3A_142 = vector.extract_strided_slice %parallel_loop3A_21 {offsets = [6], sizes = [1], strides = [1]} : vector<16xi32> to vector<1xi32>
      %parallel_loop3A_143 = vector.extract %parallel_loop3A_142[0] : i32 from vector<1xi32>
      %parallel_loop3A_144 = arith.index_cast %parallel_loop3A_143 : i32 to index
      %parallel_loop3A_145 = tpu.vector_load %arg7[%parallel_loop3A_144] {strides = array<i32>} : memref<16000xf32, #tpu.memory_space<vmem>>, vector<16xf32>,
      %parallel_loop3A_146 = arith.mulf %parallel_loop3A_141, %parallel_loop3A_145 : vector<16xf32>
      %parallel_loop3A_147 = arith.mulf %parallel_loop3A_146, %parallel_loop3A_146 : vector<16xf32>
      %parallel_loop3A_148 = arith.constant true
      %parallel_loop3A_149 = vector.broadcast %parallel_loop3A_148 : i1 to vector<16xi1>
      %parallel_loop3A_150 = tpu.scan <sum>, %parallel_loop3A_147 masked %parallel_loop3A_149 : vector<16xf32>, vector<16xi1> -> vector<16xf32>
      %parallel_loop3A_151 = vector.extract %parallel_loop3A_150[15] : f32 from vector<16xf32>
      %parallel_loop3A_152 = arith.constant 6 : i32
      %parallel_loop3A_153 = vector.broadcast %parallel_loop3A_152 : i32 to vector<16xi32>
      %parallel_loop3A_154 = arith.cmpi eq, %iota3A, %parallel_loop3A_153 : vector<16xi32>
      %parallel_loop3A_155 = vector.broadcast %parallel_loop3A_151 : f32 to vector<16xf32>
      %parallel_loop3A_156 = arith.select %parallel_loop3A_154, %parallel_loop3A_155, %parallel_loop3A_137 : vector<16xi1>, vector<16xf32>
      %parallel_loop3A_157 = vector.extract_strided_slice %parallel_loop3A_18 {offsets = [7], sizes = [1], strides = [1]} : vector<16xi32> to vector<1xi32>
      %parallel_loop3A_158 = vector.extract %parallel_loop3A_157[0] : i32 from vector<1xi32>
      %parallel_loop3A_159 = arith.index_cast %parallel_loop3A_158 : i32 to index
      %parallel_loop3A_160 = tpu.vector_load %arg7[%parallel_loop3A_159] {strides = array<i32>} : memref<16000xf32, #tpu.memory_space<vmem>>, vector<16xf32>,
      %parallel_loop3A_161 = vector.extract_strided_slice %parallel_loop3A_21 {offsets = [7], sizes = [1], strides = [1]} : vector<16xi32> to vector<1xi32>
      %parallel_loop3A_162 = vector.extract %parallel_loop3A_161[0] : i32 from vector<1xi32>
      %parallel_loop3A_163 = arith.index_cast %parallel_loop3A_162 : i32 to index
      %parallel_loop3A_164 = tpu.vector_load %arg7[%parallel_loop3A_163] {strides = array<i32>} : memref<16000xf32, #tpu.memory_space<vmem>>, vector<16xf32>,
      %parallel_loop3A_165 = arith.mulf %parallel_loop3A_160, %parallel_loop3A_164 : vector<16xf32>
      %parallel_loop3A_166 = arith.mulf %parallel_loop3A_165, %parallel_loop3A_165 : vector<16xf32>
      %parallel_loop3A_167 = arith.constant true
      %parallel_loop3A_168 = vector.broadcast %parallel_loop3A_167 : i1 to vector<16xi1>
      %parallel_loop3A_169 = tpu.scan <sum>, %parallel_loop3A_166 masked %parallel_loop3A_168 : vector<16xf32>, vector<16xi1> -> vector<16xf32>
      %parallel_loop3A_170 = vector.extract %parallel_loop3A_169[15] : f32 from vector<16xf32>
      %parallel_loop3A_171 = arith.constant 7 : i32
      %parallel_loop3A_172 = vector.broadcast %parallel_loop3A_171 : i32 to vector<16xi32>
      %parallel_loop3A_173 = arith.cmpi eq, %iota3A, %parallel_loop3A_172 : vector<16xi32>
      %parallel_loop3A_174 = vector.broadcast %parallel_loop3A_170 : f32 to vector<16xf32>
      %parallel_loop3A_175 = arith.select %parallel_loop3A_173, %parallel_loop3A_174, %parallel_loop3A_156 : vector<16xi1>, vector<16xf32>
      %parallel_loop3A_176 = vector.extract_strided_slice %parallel_loop3A_18 {offsets = [8], sizes = [1], strides = [1]} : vector<16xi32> to vector<1xi32>
      %parallel_loop3A_177 = vector.extract %parallel_loop3A_176[0] : i32 from vector<1xi32>
      %parallel_loop3A_178 = arith.index_cast %parallel_loop3A_177 : i32 to index
      %parallel_loop3A_179 = tpu.vector_load %arg7[%parallel_loop3A_178] {strides = array<i32>} : memref<16000xf32, #tpu.memory_space<vmem>>, vector<16xf32>,
      %parallel_loop3A_180 = vector.extract_strided_slice %parallel_loop3A_21 {offsets = [8], sizes = [1], strides = [1]} : vector<16xi32> to vector<1xi32>
      %parallel_loop3A_181 = vector.extract %parallel_loop3A_180[0] : i32 from vector<1xi32>
      %parallel_loop3A_182 = arith.index_cast %parallel_loop3A_181 : i32 to index
      %parallel_loop3A_183 = tpu.vector_load %arg7[%parallel_loop3A_182] {strides = array<i32>} : memref<16000xf32, #tpu.memory_space<vmem>>, vector<16xf32>,
      %parallel_loop3A_184 = arith.mulf %parallel_loop3A_179, %parallel_loop3A_183 : vector<16xf32>
      %parallel_loop3A_185 = arith.mulf %parallel_loop3A_184, %parallel_loop3A_184 : vector<16xf32>
      %parallel_loop3A_186 = arith.constant true
      %parallel_loop3A_187 = vector.broadcast %parallel_loop3A_186 : i1 to vector<16xi1>
      %parallel_loop3A_188 = tpu.scan <sum>, %parallel_loop3A_185 masked %parallel_loop3A_187 : vector<16xf32>, vector<16xi1> -> vector<16xf32>
      %parallel_loop3A_189 = vector.extract %parallel_loop3A_188[15] : f32 from vector<16xf32>
      %parallel_loop3A_190 = arith.constant 8 : i32
      %parallel_loop3A_191 = vector.broadcast %parallel_loop3A_190 : i32 to vector<16xi32>
      %parallel_loop3A_192 = arith.cmpi eq, %iota3A, %parallel_loop3A_191 : vector<16xi32>
      %parallel_loop3A_193 = vector.broadcast %parallel_loop3A_189 : f32 to vector<16xf32>
      %parallel_loop3A_194 = arith.select %parallel_loop3A_192, %parallel_loop3A_193, %parallel_loop3A_175 : vector<16xi1>, vector<16xf32>
      %parallel_loop3A_195 = vector.extract_strided_slice %parallel_loop3A_18 {offsets = [9], sizes = [1], strides = [1]} : vector<16xi32> to vector<1xi32>
      %parallel_loop3A_196 = vector.extract %parallel_loop3A_195[0] : i32 from vector<1xi32>
      %parallel_loop3A_197 = arith.index_cast %parallel_loop3A_196 : i32 to index
      %parallel_loop3A_198 = tpu.vector_load %arg7[%parallel_loop3A_197] {strides = array<i32>} : memref<16000xf32, #tpu.memory_space<vmem>>, vector<16xf32>,
      %parallel_loop3A_199 = vector.extract_strided_slice %parallel_loop3A_21 {offsets = [9], sizes = [1], strides = [1]} : vector<16xi32> to vector<1xi32>
      %parallel_loop3A_200 = vector.extract %parallel_loop3A_199[0] : i32 from vector<1xi32>
      %parallel_loop3A_201 = arith.index_cast %parallel_loop3A_200 : i32 to index
      %parallel_loop3A_202 = tpu.vector_load %arg7[%parallel_loop3A_201] {strides = array<i32>} : memref<16000xf32, #tpu.memory_space<vmem>>, vector<16xf32>,
      %parallel_loop3A_203 = arith.mulf %parallel_loop3A_198, %parallel_loop3A_202 : vector<16xf32>
      %parallel_loop3A_204 = arith.mulf %parallel_loop3A_203, %parallel_loop3A_203 : vector<16xf32>
      %parallel_loop3A_205 = arith.constant true
      %parallel_loop3A_206 = vector.broadcast %parallel_loop3A_205 : i1 to vector<16xi1>
      %parallel_loop3A_207 = tpu.scan <sum>, %parallel_loop3A_204 masked %parallel_loop3A_206 : vector<16xf32>, vector<16xi1> -> vector<16xf32>
      %parallel_loop3A_208 = vector.extract %parallel_loop3A_207[15] : f32 from vector<16xf32>
      %parallel_loop3A_209 = arith.constant 9 : i32
      %parallel_loop3A_210 = vector.broadcast %parallel_loop3A_209 : i32 to vector<16xi32>
      %parallel_loop3A_211 = arith.cmpi eq, %iota3A, %parallel_loop3A_210 : vector<16xi32>
      %parallel_loop3A_212 = vector.broadcast %parallel_loop3A_208 : f32 to vector<16xf32>
      %parallel_loop3A_213 = arith.select %parallel_loop3A_211, %parallel_loop3A_212, %parallel_loop3A_194 : vector<16xi1>, vector<16xf32>
      %parallel_loop3A_214 = vector.extract_strided_slice %parallel_loop3A_18 {offsets = [10], sizes = [1], strides = [1]} : vector<16xi32> to vector<1xi32>
      %parallel_loop3A_215 = vector.extract %parallel_loop3A_214[0] : i32 from vector<1xi32>
      %parallel_loop3A_216 = arith.index_cast %parallel_loop3A_215 : i32 to index
      %parallel_loop3A_217 = tpu.vector_load %arg7[%parallel_loop3A_216] {strides = array<i32>} : memref<16000xf32, #tpu.memory_space<vmem>>, vector<16xf32>,
      %parallel_loop3A_218 = vector.extract_strided_slice %parallel_loop3A_21 {offsets = [10], sizes = [1], strides = [1]} : vector<16xi32> to vector<1xi32>
      %parallel_loop3A_219 = vector.extract %parallel_loop3A_218[0] : i32 from vector<1xi32>
      %parallel_loop3A_220 = arith.index_cast %parallel_loop3A_219 : i32 to index
      %parallel_loop3A_221 = tpu.vector_load %arg7[%parallel_loop3A_220] {strides = array<i32>} : memref<16000xf32, #tpu.memory_space<vmem>>, vector<16xf32>,
      %parallel_loop3A_222 = arith.mulf %parallel_loop3A_217, %parallel_loop3A_221 : vector<16xf32>
      %parallel_loop3A_223 = arith.mulf %parallel_loop3A_222, %parallel_loop3A_222 : vector<16xf32>
      %parallel_loop3A_224 = arith.constant true
      %parallel_loop3A_225 = vector.broadcast %parallel_loop3A_224 : i1 to vector<16xi1>
      %parallel_loop3A_226 = tpu.scan <sum>, %parallel_loop3A_223 masked %parallel_loop3A_225 : vector<16xf32>, vector<16xi1> -> vector<16xf32>
      %parallel_loop3A_227 = vector.extract %parallel_loop3A_226[15] : f32 from vector<16xf32>
      %parallel_loop3A_228 = arith.constant 10 : i32
      %parallel_loop3A_229 = vector.broadcast %parallel_loop3A_228 : i32 to vector<16xi32>
      %parallel_loop3A_230 = arith.cmpi eq, %iota3A, %parallel_loop3A_229 : vector<16xi32>
      %parallel_loop3A_231 = vector.broadcast %parallel_loop3A_227 : f32 to vector<16xf32>
      %parallel_loop3A_232 = arith.select %parallel_loop3A_230, %parallel_loop3A_231, %parallel_loop3A_213 : vector<16xi1>, vector<16xf32>
      %parallel_loop3A_233 = vector.extract_strided_slice %parallel_loop3A_18 {offsets = [11], sizes = [1], strides = [1]} : vector<16xi32> to vector<1xi32>
      %parallel_loop3A_234 = vector.extract %parallel_loop3A_233[0] : i32 from vector<1xi32>
      %parallel_loop3A_235 = arith.index_cast %parallel_loop3A_234 : i32 to index
      %parallel_loop3A_236 = tpu.vector_load %arg7[%parallel_loop3A_235] {strides = array<i32>} : memref<16000xf32, #tpu.memory_space<vmem>>, vector<16xf32>,
      %parallel_loop3A_237 = vector.extract_strided_slice %parallel_loop3A_21 {offsets = [11], sizes = [1], strides = [1]} : vector<16xi32> to vector<1xi32>
      %parallel_loop3A_238 = vector.extract %parallel_loop3A_237[0] : i32 from vector<1xi32>
      %parallel_loop3A_239 = arith.index_cast %parallel_loop3A_238 : i32 to index
      %parallel_loop3A_240 = tpu.vector_load %arg7[%parallel_loop3A_239] {strides = array<i32>} : memref<16000xf32, #tpu.memory_space<vmem>>, vector<16xf32>,
      %parallel_loop3A_241 = arith.mulf %parallel_loop3A_236, %parallel_loop3A_240 : vector<16xf32>
      %parallel_loop3A_242 = arith.mulf %parallel_loop3A_241, %parallel_loop3A_241 : vector<16xf32>
      %parallel_loop3A_243 = arith.constant true
      %parallel_loop3A_244 = vector.broadcast %parallel_loop3A_243 : i1 to vector<16xi1>
      %parallel_loop3A_245 = tpu.scan <sum>, %parallel_loop3A_242 masked %parallel_loop3A_244 : vector<16xf32>, vector<16xi1> -> vector<16xf32>
      %parallel_loop3A_246 = vector.extract %parallel_loop3A_245[15] : f32 from vector<16xf32>
      %parallel_loop3A_247 = arith.constant 11 : i32
      %parallel_loop3A_248 = vector.broadcast %parallel_loop3A_247 : i32 to vector<16xi32>
      %parallel_loop3A_249 = arith.cmpi eq, %iota3A, %parallel_loop3A_248 : vector<16xi32>
      %parallel_loop3A_250 = vector.broadcast %parallel_loop3A_246 : f32 to vector<16xf32>
      %parallel_loop3A_251 = arith.select %parallel_loop3A_249, %parallel_loop3A_250, %parallel_loop3A_232 : vector<16xi1>, vector<16xf32>
      %parallel_loop3A_252 = vector.extract_strided_slice %parallel_loop3A_18 {offsets = [12], sizes = [1], strides = [1]} : vector<16xi32> to vector<1xi32>
      %parallel_loop3A_253 = vector.extract %parallel_loop3A_252[0] : i32 from vector<1xi32>
      %parallel_loop3A_254 = arith.index_cast %parallel_loop3A_253 : i32 to index
      %parallel_loop3A_255 = tpu.vector_load %arg7[%parallel_loop3A_254] {strides = array<i32>} : memref<16000xf32, #tpu.memory_space<vmem>>, vector<16xf32>,
      %parallel_loop3A_256 = vector.extract_strided_slice %parallel_loop3A_21 {offsets = [12], sizes = [1], strides = [1]} : vector<16xi32> to vector<1xi32>
      %parallel_loop3A_257 = vector.extract %parallel_loop3A_256[0] : i32 from vector<1xi32>
      %parallel_loop3A_258 = arith.index_cast %parallel_loop3A_257 : i32 to index
      %parallel_loop3A_259 = tpu.vector_load %arg7[%parallel_loop3A_258] {strides = array<i32>} : memref<16000xf32, #tpu.memory_space<vmem>>, vector<16xf32>,
      %parallel_loop3A_260 = arith.mulf %parallel_loop3A_255, %parallel_loop3A_259 : vector<16xf32>
      %parallel_loop3A_261 = arith.mulf %parallel_loop3A_260, %parallel_loop3A_260 : vector<16xf32>
      %parallel_loop3A_262 = arith.constant true
      %parallel_loop3A_263 = vector.broadcast %parallel_loop3A_262 : i1 to vector<16xi1>
      %parallel_loop3A_264 = tpu.scan <sum>, %parallel_loop3A_261 masked %parallel_loop3A_263 : vector<16xf32>, vector<16xi1> -> vector<16xf32>
      %parallel_loop3A_265 = vector.extract %parallel_loop3A_264[15] : f32 from vector<16xf32>
      %parallel_loop3A_266 = arith.constant 12 : i32
      %parallel_loop3A_267 = vector.broadcast %parallel_loop3A_266 : i32 to vector<16xi32>
      %parallel_loop3A_268 = arith.cmpi eq, %iota3A, %parallel_loop3A_267 : vector<16xi32>
      %parallel_loop3A_269 = vector.broadcast %parallel_loop3A_265 : f32 to vector<16xf32>
      %parallel_loop3A_270 = arith.select %parallel_loop3A_268, %parallel_loop3A_269, %parallel_loop3A_251 : vector<16xi1>, vector<16xf32>
      %parallel_loop3A_271 = vector.extract_strided_slice %parallel_loop3A_18 {offsets = [13], sizes = [1], strides = [1]} : vector<16xi32> to vector<1xi32>
      %parallel_loop3A_272 = vector.extract %parallel_loop3A_271[0] : i32 from vector<1xi32>
      %parallel_loop3A_273 = arith.index_cast %parallel_loop3A_272 : i32 to index
      %parallel_loop3A_274 = tpu.vector_load %arg7[%parallel_loop3A_273] {strides = array<i32>} : memref<16000xf32, #tpu.memory_space<vmem>>, vector<16xf32>,
      %parallel_loop3A_275 = vector.extract_strided_slice %parallel_loop3A_21 {offsets = [13], sizes = [1], strides = [1]} : vector<16xi32> to vector<1xi32>
      %parallel_loop3A_276 = vector.extract %parallel_loop3A_275[0] : i32 from vector<1xi32>
      %parallel_loop3A_277 = arith.index_cast %parallel_loop3A_276 : i32 to index
      %parallel_loop3A_278 = tpu.vector_load %arg7[%parallel_loop3A_277] {strides = array<i32>} : memref<16000xf32, #tpu.memory_space<vmem>>, vector<16xf32>,
      %parallel_loop3A_279 = arith.mulf %parallel_loop3A_274, %parallel_loop3A_278 : vector<16xf32>
      %parallel_loop3A_280 = arith.mulf %parallel_loop3A_279, %parallel_loop3A_279 : vector<16xf32>
      %parallel_loop3A_281 = arith.constant true
      %parallel_loop3A_282 = vector.broadcast %parallel_loop3A_281 : i1 to vector<16xi1>
      %parallel_loop3A_283 = tpu.scan <sum>, %parallel_loop3A_280 masked %parallel_loop3A_282 : vector<16xf32>, vector<16xi1> -> vector<16xf32>
      %parallel_loop3A_284 = vector.extract %parallel_loop3A_283[15] : f32 from vector<16xf32>
      %parallel_loop3A_285 = arith.constant 13 : i32
      %parallel_loop3A_286 = vector.broadcast %parallel_loop3A_285 : i32 to vector<16xi32>
      %parallel_loop3A_287 = arith.cmpi eq, %iota3A, %parallel_loop3A_286 : vector<16xi32>
      %parallel_loop3A_288 = vector.broadcast %parallel_loop3A_284 : f32 to vector<16xf32>
      %parallel_loop3A_289 = arith.select %parallel_loop3A_287, %parallel_loop3A_288, %parallel_loop3A_270 : vector<16xi1>, vector<16xf32>
      %parallel_loop3A_290 = vector.extract_strided_slice %parallel_loop3A_18 {offsets = [14], sizes = [1], strides = [1]} : vector<16xi32> to vector<1xi32>
      %parallel_loop3A_291 = vector.extract %parallel_loop3A_290[0] : i32 from vector<1xi32>
      %parallel_loop3A_292 = arith.index_cast %parallel_loop3A_291 : i32 to index
      %parallel_loop3A_293 = tpu.vector_load %arg7[%parallel_loop3A_292] {strides = array<i32>} : memref<16000xf32, #tpu.memory_space<vmem>>, vector<16xf32>,
      %parallel_loop3A_294 = vector.extract_strided_slice %parallel_loop3A_21 {offsets = [14], sizes = [1], strides = [1]} : vector<16xi32> to vector<1xi32>
      %parallel_loop3A_295 = vector.extract %parallel_loop3A_294[0] : i32 from vector<1xi32>
      %parallel_loop3A_296 = arith.index_cast %parallel_loop3A_295 : i32 to index
      %parallel_loop3A_297 = tpu.vector_load %arg7[%parallel_loop3A_296] {strides = array<i32>} : memref<16000xf32, #tpu.memory_space<vmem>>, vector<16xf32>,
      %parallel_loop3A_298 = arith.mulf %parallel_loop3A_293, %parallel_loop3A_297 : vector<16xf32>
      %parallel_loop3A_299 = arith.mulf %parallel_loop3A_298, %parallel_loop3A_298 : vector<16xf32>
      %parallel_loop3A_300 = arith.constant true
      %parallel_loop3A_301 = vector.broadcast %parallel_loop3A_300 : i1 to vector<16xi1>
      %parallel_loop3A_302 = tpu.scan <sum>, %parallel_loop3A_299 masked %parallel_loop3A_301 : vector<16xf32>, vector<16xi1> -> vector<16xf32>
      %parallel_loop3A_303 = vector.extract %parallel_loop3A_302[15] : f32 from vector<16xf32>
      %parallel_loop3A_304 = arith.constant 14 : i32
      %parallel_loop3A_305 = vector.broadcast %parallel_loop3A_304 : i32 to vector<16xi32>
      %parallel_loop3A_306 = arith.cmpi eq, %iota3A, %parallel_loop3A_305 : vector<16xi32>
      %parallel_loop3A_307 = vector.broadcast %parallel_loop3A_303 : f32 to vector<16xf32>
      %parallel_loop3A_308 = arith.select %parallel_loop3A_306, %parallel_loop3A_307, %parallel_loop3A_289 : vector<16xi1>, vector<16xf32>
      %parallel_loop3A_309 = vector.extract_strided_slice %parallel_loop3A_18 {offsets = [15], sizes = [1], strides = [1]} : vector<16xi32> to vector<1xi32>
      %parallel_loop3A_310 = vector.extract %parallel_loop3A_309[0] : i32 from vector<1xi32>
      %parallel_loop3A_311 = arith.index_cast %parallel_loop3A_310 : i32 to index
      %parallel_loop3A_312 = tpu.vector_load %arg7[%parallel_loop3A_311] {strides = array<i32>} : memref<16000xf32, #tpu.memory_space<vmem>>, vector<16xf32>,
      %parallel_loop3A_313 = vector.extract_strided_slice %parallel_loop3A_21 {offsets = [15], sizes = [1], strides = [1]} : vector<16xi32> to vector<1xi32>
      %parallel_loop3A_314 = vector.extract %parallel_loop3A_313[0] : i32 from vector<1xi32>
      %parallel_loop3A_315 = arith.index_cast %parallel_loop3A_314 : i32 to index
      %parallel_loop3A_316 = tpu.vector_load %arg7[%parallel_loop3A_315] {strides = array<i32>} : memref<16000xf32, #tpu.memory_space<vmem>>, vector<16xf32>,
      %parallel_loop3A_317 = arith.mulf %parallel_loop3A_312, %parallel_loop3A_316 : vector<16xf32>
      %parallel_loop3A_318 = arith.mulf %parallel_loop3A_317, %parallel_loop3A_317 : vector<16xf32>
      %parallel_loop3A_319 = arith.constant true
      %parallel_loop3A_320 = vector.broadcast %parallel_loop3A_319 : i1 to vector<16xi1>
      %parallel_loop3A_321 = tpu.scan <sum>, %parallel_loop3A_318 masked %parallel_loop3A_320 : vector<16xf32>, vector<16xi1> -> vector<16xf32>
      %parallel_loop3A_322 = vector.extract %parallel_loop3A_321[15] : f32 from vector<16xf32>
      %parallel_loop3A_323 = arith.constant 15 : i32
      %parallel_loop3A_324 = vector.broadcast %parallel_loop3A_323 : i32 to vector<16xi32>
      %parallel_loop3A_325 = arith.cmpi eq, %iota3A, %parallel_loop3A_324 : vector<16xi32>
      %parallel_loop3A_326 = vector.broadcast %parallel_loop3A_322 : f32 to vector<16xf32>
      %parallel_loop3A_327 = arith.select %parallel_loop3A_325, %parallel_loop3A_326, %parallel_loop3A_308 : vector<16xi1>, vector<16xf32>
      %parallel_loop3A_328 = tpu.vector_load_idx %arg8[%parallel_loop3A_13] : memref<1024xf32, #tpu.memory_space<vmem>>[vector<16xi32>], vector<16xf32>,
      %parallel_loop3A_329 = arith.cmpi eq, %parallel_loop3A_13, %parallel_loop3A_15 : vector<16xi32>
      %parallel_loop3A_330 = arith.mulf %parallel_loop3A_328, %parallel_loop3A_328 : vector<16xf32>
      %parallel_loop3A_331 = arith.constant 0.000000e+00 : f32
      %parallel_loop3A_332 = vector.broadcast %parallel_loop3A_331 : f32 to vector<16xf32>
      %parallel_loop3A_333 = arith.select %parallel_loop3A_329, %parallel_loop3A_330, %parallel_loop3A_332 : vector<16xi1>, vector<16xf32>
      %parallel_loop3A_334 = arith.addf %parallel_loop3A_327, %parallel_loop3A_333 : vector<16xf32>
      %parallel_loop3A_335 = arith.index_cast %parallel_loop3A_11 : i32 to index
      %parallel_loop3A_336 = tpu.vector_load %arg11[%parallel_loop3A_335] {strides = array<i32>} : memref<512xf32, #tpu.memory_space<vmem>>, vector<16xf32>,
      tpu.vector_store %arg11[%parallel_loop3A_335], %parallel_loop3A_334 {strides = array<i32>} : memref<512xf32, #tpu.memory_space<vmem>>, vector<16xf32>,
    } {sc.loop_unroll_factor = 2 : i64, sc.parallel_access}
    "tpu.region"() ({
      %run_scoped3A = tpu.sem_alloc : memref<!tpu.dma_semaphore, #tpu.memory_space<semaphore_mem>>
      %dma_start3A_11 = tpu.memref_slice %arg6[%mul3A_2] : memref<16384xf32, #tpu.memory_space<hbm>> -> memref<512xf32, #tpu.memory_space<hbm>>
      %dma_start3A_12 = tpu.memref_slice %arg6[%mul3A_2] : memref<16384xf32, #tpu.memory_space<hbm>> -> memref<512xf32, #tpu.memory_space<hbm>>
      tpu.enqueue_dma source(%arg11 : memref<512xf32, #tpu.memory_space<vmem>>) target(%dma_start3A_12 : memref<512xf32, #tpu.memory_space<hbm>>) target_semaphore(%run_scoped3A : memref<!tpu.dma_semaphore, #tpu.memory_space<semaphore_mem>>)
      %dma_wait3A_13 = tpu.memref_slice %arg6[%mul3A_2] : memref<16384xf32, #tpu.memory_space<hbm>> -> memref<512xf32, #tpu.memory_space<hbm>>
      %dma_wait3A_14 = tpu.memref_slice %arg6[%mul3A_2] : memref<16384xf32, #tpu.memory_space<hbm>> -> memref<512xf32, #tpu.memory_space<hbm>>
      tpu.wait_dma2 semaphore(%run_scoped3A : memref<!tpu.dma_semaphore, #tpu.memory_space<semaphore_mem>>) src(%arg11 : memref<512xf32, #tpu.memory_space<vmem>>) dst(%dma_wait3A_14 : memref<512xf32, #tpu.memory_space<hbm>>)
      tpu.yield
    }) : () -> ()
    return
  }
}

</mosaic_0001>

<sc_bundles>
// kernel: kernel.3.cloned.1.call-start
scs
__scs_entry_jumppad:
0x0: {  	(pc) =	sbr.rel $0x88, $3  }
0x1: {  	(tag) =	ssettag $0x0;
	lr =	simm.s32 $0x1  }
0x2: {  	[smem:$0x3F9D] =	sst lr;
	_ =	strace $0xD0000000  }
0x3: {  	_ = 	snop  }
0x4: {  	_ = 	snop  }
0x5: {  	_ = 	snop  }
0x6: {  	_ = 	snop  }
0x7: {  	_ = 	snop  }
__scs_overlays_trampoline_lowered:
0x8: {  	[smem:$0x3FAC] =	sst s0  }
0x9: {  	[smem:$0x3FAD] =	sst s1  }
0xa: {  	[smem:$0x3FAE] =	sst s2  }
0xb: {  	[smem:$0x3FAF] =	sst s3  }
0xc: {  	[smem:$0x3FB0] =	sst s4  }
0xd: {  	[smem:$0x3FB1] =	sst s5  }
0xe: {  	[smem:$0x3FB2] =	sst s6  }
0xf: {  	[smem:$0x3FB3] =	sst s7  }
0x10: {  	[smem:$0x3FB4] =	sst s8  }
0x11: {  	[smem:$0x3FB5] =	sst s9;
	s0 =	simm.s32 @!p0 $0x0  }
0x12: {  	s1 =	sld [smem:$0x3F9B];
	s0 =	simm.s32 @p0 $0x1  }
0x13: {  	[smem:$0x3FB6] =	sst s0;
	s0 =	simm.s32 @!p1 $0x0  }
0x14: {  	s2 =	sld [smem:$0x3F9A];
	s0 =	simm.s32 @p1 $0x1  }
0x15: {  	[smem:$0x3FB7] =	sst s0;
	s0 =	simm.s32 @!p2 $0x0  }
0x16: {  	s3 =	sld [smem:$0x3FDB];
	s0 =	simm.s32 @p2 $0x1  }
0x17: {  	s4 =	simm.s32 $0x1BF5;
	[smem:$0x3FB9] =	sst s0  }
0x18: {  	s0 =	sld [smem:$0x3F9C];
	_ =	swait.ge [sflag:s4], $0x0  }
0x19: {  	s7 =	sld [smem:$0x3F9D]  }
0x1a: {  	s8 =	sadd.s32 $0xFFFFE003, lr  }
0x1b: {  	s9 =	sadd.s32 $0xFFFFFEF7, lr;
	s5 =	simm.s32 $0xFFFFFFFF;
	p2 =	slt.u32 s8, $0xFFFFF086  }
0x1c: {  	p1 =	slt.u32 s9, $0xF7A;
	s5 =	simm.s32 @!p2 $0x0  }
0x1d: {  	s5 =	simm.s32 @p1 $0x1;
	p0 =	seq.s32 s7, s2  }
0x1e: {  	s7 =	smul.u32 @!p0 $0xF7A, s2;
	p2 =	seq.s32 @!p0 s5, $0x0  }
0x1f: {  	s9 =	smul.u32 $0xF7A, s1;
	s8 =	simm.s32 @!p0 $0x1BF5;
	p2 =	por !p2, p0  }
0x20: {  	[sflag:s8] =	ssyncset.s32 @!p0 $0xFFFFF086;
	s6 =	sadd.s32 @!p0 s3, s7;
	s7 =	simm.s32 @!p0 $0x108  }
0x21: {  	s3 =	sadd.s32 s3, s9;
	s6 =	sadd.s32 @!p0 $0x88, s6;
	s7 =	simm.s32 @p2 $0x1082  }
0x22: {  	[simem:s7], [sflag:s8] =	dma.local @!p0 [hbm:s6], $0xF7A  }
0x23: {  	s9 =	sor.u32 $0xD0000000, s2;
	s6 =	simm.s32 $0x108;
	_ =	swait.ge @!p0 [sflag:s8], $0x0  }
0x24: {  	s3 =	sadd.s32 $0x88, s3;
	s6 =	simm.s32 @!p1 $0x1082;
	[sflag:s4] =	ssyncset.s32 $0xFFFFF086  }
0x25: {  	[simem:s6], [sflag:s4] =	dma.local [hbm:s3], $0xF7A  }
0x26: {  	[smem:$0x3F9D] =	sst s1;
	(tag) =	ssettag s2;
	_ =	strace s9  }
0x27: {  	s1 =	sld [smem:$0x3FAD]  }
0x28: {  	s2 =	sld [smem:$0x3FAE]  }
0x29: {  	s4 =	sld [smem:$0x3FB0]  }
0x2a: {  	p0 =	seq.s32 s5, $0x0;
	s5 =	sld [smem:$0x3FB1]  }
0x2b: {  	s6 =	sld [smem:$0x3FB2]  }
0x2c: {  	s7 =	sld [smem:$0x3FB3]  }
0x2d: {  	s3 =	simm.s32 $0x108;
	s8 =	sld [smem:$0x3FB4]  }
0x2e: {  	s3 =	simm.s32 @!p0 $0x1082;
	s9 =	sld [smem:$0x3FB5]  }
0x2f: {  	lr =	sadd.s32 s0, s3;
	s0 =	sld [smem:$0x3FAC]  }
0x30: {  	s3 =	sld [smem:$0x3FAF]  }
0x31: {  	[smem:$0x3FB8] =	sst s10  }
0x32: {  	s10 =	sld [smem:$0x3FB6];
	_ =	sdelay $0x3  }
0x33: {  	p0 =	seq.s32 s10, $0x1;
	s10 =	sld [smem:$0x3FB8];
	_ =	sdelay $0x3  }
0x34: {  	[smem:$0x3FB8] =	sst s10  }
0x35: {  	s10 =	sld [smem:$0x3FB7];
	_ =	sdelay $0x3  }
0x36: {  	p1 =	seq.s32 s10, $0x1;
	s10 =	sld [smem:$0x3FB8];
	_ =	sdelay $0x3  }
0x37: {  	[smem:$0x3FB8] =	sst s10  }
0x38: {  	s10 =	sld [smem:$0x3FB9]  }
0x39: {  	_ = 	snop;
	(pc) =	sbr.ind lr, $3  }
0x3a: {  	_ = 	snop  }
0x3b: {  	_ = 	snop  }
0x3c: {  	p2 =	seq.s32 s10, $0x1;
	s10 =	sld [smem:$0x3FB8]  }
0x3d: {  	_ =	shalt  }
0x3e: {  	_ =	shalt  }
0x3f: {  	_ =	shalt  }
0x40: {  	_ =	shalt  }
0x41: {  	_ =	shalt  }
0x42: {  	_ =	shalt  }
0x43: {  	_ =	shalt  }
0x44: {  	_ =	shalt  }
0x45: {  	_ =	shalt  }
0x46: {  	_ =	shalt  }
0x47: {  	_ =	shalt  }
0x48: {  	_ =	shalt  }
0x49: {  	_ =	shalt  }
0x4a: {  	_ =	shalt  }
0x4b: {  	_ =	shalt  }
0x4c: {  	_ =	shalt  }
0x4d: {  	_ =	shalt  }
0x4e: {  	_ =	shalt  }
0x4f: {  	_ =	shalt  }
0x50: {  	_ =	shalt  }
0x51: {  	_ =	shalt  }
0x52: {  	_ =	shalt  }
0x53: {  	_ =	shalt  }
0x54: {  	_ =	shalt  }
0x55: {  	_ =	shalt  }
0x56: {  	_ =	shalt  }
0x57: {  	_ =	shalt  }
0x58: {  	_ =	shalt  }
0x59: {  	_ =	shalt  }
0x5a: {  	_ =	shalt  }
0x5b: {  	_ =	shalt  }
0x5c: {  	_ =	shalt  }
0x5d: {  	_ =	shalt  }
0x5e: {  	_ =	shalt  }
0x5f: {  	_ =	shalt  }
0x60: {  	_ =	shalt  }
0x61: {  	_ =	shalt  }
0x62: {  	_ =	shalt  }
0x63: {  	_ =	shalt  }
0x64: {  	_ =	shalt  }
0x65: {  	_ =	shalt  }
0x66: {  	_ =	shalt  }
0x67: {  	_ =	shalt  }
0x68: {  	_ =	shalt  }
0x69: {  	_ =	shalt  }
0x6a: {  	_ =	shalt  }
0x6b: {  	_ =	shalt  }
0x6c: {  	_ =	shalt  }
0x6d: {  	_ =	shalt  }
0x6e: {  	_ =	shalt  }
0x6f: {  	_ =	shalt  }
0x70: {  	_ =	shalt  }
0x71: {  	_ =	shalt  }
0x72: {  	_ =	shalt  }
0x73: {  	_ =	shalt  }
0x74: {  	_ =	shalt  }
0x75: {  	_ =	shalt  }
0x76: {  	_ =	shalt  }
0x77: {  	_ =	shalt  }
0x78: {  	_ =	shalt  }
0x79: {  	_ =	shalt  }
0x7a: {  	_ =	shalt  }
0x7b: {  	_ =	shalt  }
0x7c: {  	_ =	shalt  }
0x7d: {  	_ =	shalt  }
0x7e: {  	_ =	shalt  }
0x7f: {  	_ =	shalt  }
0x80: {  	_ =	shalt  }
0x81: {  	_ =	shalt  }
0x82: {  	_ =	shalt  }
0x83: {  	_ =	shalt  }
0x84: {  	_ =	shalt  }
0x85: {  	_ =	shalt  }
0x86: {  	_ =	shalt  }
0x87: {  	_ =	shalt  }
.Lfunc_end0:
.L_simem_size_0:
called_computation_lowered:
.L_overlay_start_0:
0x88: {  	s2 =	sld [smem:$0x3FD9]  }
0x89: {  	s3 =	sld [smem:$0x3FFE];
	_ =	sdelay $0x1  }
0x8a: {  	s1 =	srdreg.scid  }
0x8b: {  	s0 =	sand.u32 $0x1, s1  }
0x8c: {  	s17 =	sshll.u32 s0, $0xA;
	s2 =	sadd.s32 s3, s2  }
0x8d: {  	s2 =	sadd.s32 s2, s17  }
0x8e: {  	[smem:$0x3FC4] =	sst s2  }
0x8f: {  	_ = 	snop  }
0x90: {  	s2 =	sld [smem:$0x3FC9]  }
0x91: {  	s18 =	sld [smem:$0x3FC8]  }
0x92: {  	s4 =	sld [smem:$0x3FD0];
	(tm) =	ssettm $0x1  }
0x93: {  	s5 =	sld [smem:$0x3FFB];
	_ =	sdelay $0x3  }
0x94: {  	_ =	strace s5  }
0x95: {  	s5 =	sld [smem:$0x3FFC];
	_ =	sdelay $0x3  }
0x96: {  	_ =	strace s5  }
0x97: {  	s5 =	sld [smem:$0x3FFD];
	_ =	sdelay $0x3  }
0x98: {  	_ =	strace s5  }
0x99: {  	_ =	strace $0x8FFFFFFF  }
0x9a: {  	s19 =	sld [smem:$0x3FDB];
	_ =	sdelay $0x1  }
0x9b: {  	s6 =	simm.s32 $_scs_section_size  }
0x9c: {  	s7 =	simm.s32 $_size__tile_overlayer_lowered;
	s8 =	simm.s32 $_tile_overlayer_lowered  }
0x9d: {  	s22 =	simm.s32 $0x1BFF;
	s21 =	sshll.u32 s8, $0x1;
	s5 =	sadd.s32 s6, s19  }
0x9e: {  	s9 =	simm.s32 $0x0;
	s20 =	sshll.u32 s7, $0x1;
	s7 =	sadd.s32 s21, s5  }
0x9f: {  	[timem:s9], [sflag:s22] =	dma.local [hbm:s7], s20  }
0xa0: {  	_ =	swait.ge [sflag:s22], s20  }
0xa1: {  	s6 =	ssub.s32 $0x0, s20;
	[sflag:s22] =	ssyncset.done $0x0  }
0xa2: {  	[sflag:s22] =	ssyncadd.s32 s6;
	_ =	sdelay $0x1  }
0xa3: {  	s23 =	simm.s32 $0x1B8B  }
0xa4: {  	_ =	swait.ge [sflag:s23], $0x1  }
0xa5: {  	[sflag:s23] =	ssyncset.done $0x0  }
0xa6: {  	s25 =	simm.s32 $0x1B8E;
	s24 =	sld [smem:$0x3FFE];
	[sflag:s23] =	ssyncadd.s32 $0xFFFFFFFF  }
0xa7: {  	s26 =	simm.s32 $execute0_lowered;
	[smem:$0x3FD2] =	sst s25  }
0xa8: {  	s7 =	sshll.u32 s26, $0x1;
	_ =	strace $0x80000046;
	[dreg:$0x1] =	wrdreg $0xFFFFFFFF  }
0xa9: {  	s28 =	simm.s32 $_size_execute0_lowered;
	s5 =	sadd.s32 s5, s7;
	[dreg:$0x0] =	wrdreg $0x0  }
0xaa: {  	s7 =	sshll.u32 s28, $0x1;
	[dreg:$0x2] =	wrdreg s5  }
0xab: {  	[dreg:$0x3] =	wrdreg s7  }
0xac: {  	[dreg:$0x4] =	wrdreg $0xC0  }
0xad: {  	_ =	task [dreg:s9], $0x5FFFF  }
0xae: {  	[dreg:$0x1] =	wrdreg $0xFFFFFFFF  }
0xaf: {  	[dreg:$0x0] =	wrdreg $0x60  }
0xb0: {  	[dreg:$0x2] =	wrdreg s24  }
0xb1: {  	[dreg:$0x3] =	wrdreg s2  }
0xb2: {  	[dreg:$0x4] =	wrdreg s18  }
0xb3: {  	[dreg:$0x5] =	wrdreg s4  }
0xb4: {  	[dreg:$0x6] =	wrdreg $0x9  }
0xb5: {  	_ =	task.clear_ibuf [dreg:s9], $0x7FFFF;
	_ =	strace $0x90000046  }
0xb6: {  	s29 =	simm.s32 $0x9;
	_ =	strace $0x80000048  }
0xb7: {  	_ =	swait.ge [sflag:s29], $0x1  }
0xb8: {  	[sflag:s29] =	ssyncadd.s32 $0xFFFFFFFF  }
0xb9: {  	_ =	strace $0x90000048  }
0xba: {  	_ =	sfence  }
0xbb: {  	s30 =	sld [smem:$0x0];
	_ =	sdelay $0x2  }
0xbc: {  	s31 =	sshll.u32 s1, $0xD;
	s1 =	sshrl.u32 s1, $0x2  }
0xbd: {  	s3 =	sand.u32 $0x4000, s31;
	s1 =	sadd.s32 s1, s30  }
0xbe: {  	s0 =	sor.u32 s3, s0;
	s1 =	sshll.u32 s1, $0x11  }
0xbf: {  	s0 =	sor.u32 s1, s0  }
0xc0: {  	s0 =	sadd.s32 $0x8F2B, s0  }
0xc1: {  	[sflag:s0] =	ssyncadd.remote.s32 $0x1  }
0xc2: {  	_ =	sfence.sel $0xFFFF  }
0xc3: {  	[dreg:$0x0] =	wrdreg $0xFFFFFFFF;
	(pc) =	sbr.abs _section_cstart, $3  }
0xc4: {  	[dreg:$0x1] =	wrdreg $0xFFFFFFFF  }
0xc5: {  	_ =	task.clear_ibuf [dreg:s9], $0x2FFFF;
	_ =	strace $0x9FFFFFFF  }
0xc6: {  	(tm) =	ssettm $0x7FFFFFFF  }
0xc7: {  	_ =	shalt  }
tec
execute0_lowered:
.L_overlay_start_1:
0x0: {  	(tag) =	ssettag $0x1  }
0x1: {  	s4 =	rddreg [dreg:$0x0]  }
0x2: {  	s5 =	rddreg [dreg:$0x1]  }
0x3: {  	s6 =	rddreg [dreg:$0x2]  }
0x4: {  	s7 =	rddreg [dreg:$0x3]  }
0x5: {  	s0 =	rddreg [dreg:$0x4];
	s1 =	simm.s32 $0x0  }
0x6: {  	s8 =	srdreg.scid;
	s2 =	stileid.u32;
	s12 =	simm.s32 $0x1  }
0x7: {  	s13 =	simm.s32 $0x4680;
	s14 =	simm.s32 $0x2;
	s15 =	simm.s32 $0x0  }
0x8: {  	[smem:$0x7FF] =	sst s1;
	s3 =	sadd.s32 $0x600, s4;
	s8 =	sand.u32 $0x1, s8  }
0x9: {  	vm0 =	vmmov $0x1;
	vm1 =	vmmov $0x3;
	vm2 =	vmmov $0x7;
	s10 =	sshll.u32 s2, $0x7;
	s4 =	sadd.s32 $0xE00, s4;
	s9 =	ssub.s32 $0x2, s8  }
0xa: {  	vm3 =	vmmov $0xf;
	vm4 =	vmmov $0x1f;
	vm5 =	vmmov $0x3f;
	_ =	strace $0x80000047;
	s8 =	sshll.u32 s8, $0x6;
	s11 =	sshrl.u32 s9, $0x1  }
0xb: {  	vm6 =	vmmov $0x7f;
	vm7 =	vmmov $0xff;
	vm8 =	vmmov $0x1ff;
	s8 =	sor.u32 s8, s10;
	s10 =	simm.s32 $0x4280;
	s9 =	ssub.s32 s9, s11  }
0xc: {  	vm9 =	vmmov $0x3ff;
	vm10 =	vmmov $0x7ff;
	vm11 =	vmmov $0xfff;
	s5 =	sadd.s32 s5, s8;
	s6 =	sadd.s32 s6, s8;
	s7 =	sadd.s32 s7, s8  }
0xd: {  	vm12 =	vmmov $0x1fff;
	vm13 =	vmmov $0x3fff;
	vm14 =	vmmov $0x7fff;
	s11 =	simm.s32 $0x4480;
	s8 =	smax.u32 s9, $0x1;
	s9 =	simm.s32 $0x3E80  }
.LBB2_1:
0xe: {  	[tilespmem:s1], [sflag:$0x1] =	stream.linear.gather [hbm4b:s3+s1], $0x3E80, $0x38;
	[tilespmem:$0x4880] =	vst v63  }
0xf: {  	_ = 	snop  }
0x10: {  	[tilespmem:s9], [sflag:$0x1] =	stream.linear.gather [hbm4b:s4+s1], $0x400, $0x38;
	[tilespmem:$0x4880] =	vst v63  }
0x11: {  	_ = 	snop  }
0x12: {  	[tilespmem:s10], [sflag:$0x1] =	stream.linear.gather [hbm4b:s5+s1], $0x200, $0x38;
	[tilespmem:$0x4880] =	vst v63  }
0x13: {  	_ = 	snop  }
0x14: {  	[tilespmem:s11], [sflag:$0x1] =	stream.linear.gather [hbm4b:s6+s1], $0x200, $0x38;
	[tilespmem:$0x4880] =	vst v63  }
0x15: {  	_ =	swait.ge [sflag:s12], $0x3E80  }
0x16: {  	[sflag:s12] =	ssyncset.done $0x0  }
0x17: {  	[sflag:s12] =	ssyncadd.s32 $0xFFFFC180  }
0x18: {  	_ =	swait.ge [sflag:s12], $0x400  }
0x19: {  	[sflag:s12] =	ssyncset.done $0x0  }
0x1a: {  	[sflag:s12] =	ssyncadd.s32 $0xFFFFFC00  }
0x1b: {  	_ =	swait.ge [sflag:s12], $0x200  }
0x1c: {  	[sflag:s12] =	ssyncset.done $0x0  }
0x1d: {  	[sflag:s12] =	ssyncadd.s32 $0xFFFFFE00  }
0x1e: {  	_ =	swait.ge [sflag:s12], $0x200  }
0x1f: {  	[sflag:s12] =	ssyncset.done $0x0  }
0x20: {  	s17 =	simm.s32 $0x4290;
	[sflag:s12] =	ssyncadd.s32 $0xFFFFFE00  }
0x21: {  	s16 =	simm.s32 $0x4490;
	v2 =	vld [tilespmem:s17+$0x0]  }
0x22: {  	v3 =	vld [tilespmem:s16+$0x0]  }
0x23: {  	v0 =	vld [tilespmem:s16+$0xFFFFFFF0];
	_ =	sdelay $0x2  }
0x24: {  	v1 =	vld [tilespmem:s17+$0xFFFFFFF0];
	v11 =	vshll.u32 v2, $0x4  }
0x25: {  	v13 =	vshll.u32 v3, $0x4;
	(v2sf) =	vpush v11, $0xE  }
0x26: {  	v4 =	vshll.u32 v0, $0x4;
	(v2sf) =	vpush v13, $0xE  }
0x27: {  	(v2sf) =	vpush v4, $0x0  }
0x28: {  	(v2sf) =	vpush v11, $0xC  }
0x29: {  	v5 =	vshll.u32 v1, $0x4;
	(v2sf) =	vpush v13, $0xC  }
0x2a: {  	(v2sf) =	vpush v5, $0x0  }
0x2b: {  	(v2sf) =	vpush v11, $0xB  }
0x2c: {  	(v2sf) =	vpush v13, $0xB  }
0x2d: {  	(v2sf) =	vpush v5, $0x1  }
0x2e: {  	(v2sf) =	vpush v11, $0x9  }
0x2f: {  	(v2sf) =	vpush v13, $0x9  }
0x30: {  	(v2sf) =	vpush v4, $0x1  }
0x31: {  	(v2sf) =	vpush v11, $0x8  }
0x32: {  	(v2sf) =	vpush v13, $0x8  }
0x33: {  	(v2sf) =	vpush v5, $0x2  }
0x34: {  	(v2sf) =	vpush v11, $0x6;
	s26 =	spop (v2sf)  }
0x35: {  	(v2sf) =	vpush v13, $0x6;
	s18 =	spop (v2sf)  }
0x36: {  	s19 =	spop (v2sf);
	(v2sf) =	vpush v4, $0x2  }
0x37: {  	(v2sf) =	vpush v11, $0x5;
	s28 =	spop (v2sf)  }
0x38: {  	v14 =	vld [tilespmem:s26+$0x0];
	(v2sf) =	vpush v13, $0x5;
	s29 =	spop (v2sf)  }
0x39: {  	v15 =	vld [tilespmem:s18+$0x0];
	s30 =	spop (v2sf);
	(v2sf) =	vpush v5, $0x3  }
0x3a: {  	v7 =	vld [tilespmem:s19+$0x0];
	(v2sf) =	vpush v11, $0x3;
	s31 =	spop (v2sf)  }
0x3b: {  	v16 =	vld [tilespmem:s28+$0x0];
	(v2sf) =	vpush v13, $0x3;
	s20 =	spop (v2sf)  }
0x3c: {  	v17 =	vld [tilespmem:s29+$0x0];
	s21 =	spop (v2sf);
	(v2sf) =	vpush v4, $0x3  }
0x3d: {  	v9 =	vld [tilespmem:s30+$0x0];
	(v2sf) =	vpush v11, $0x2;
	s22 =	spop (v2sf)  }
0x3e: {  	v18 =	vld [tilespmem:s31+$0x0];
	(v2sf) =	vpush v13, $0x2;
	s23 =	spop (v2sf)  }
0x3f: {  	v19 =	vld [tilespmem:s20+$0x0];
	s24 =	spop (v2sf);
	(v2sf) =	vpush v5, $0x4  }
0x40: {  	v8 =	vld [tilespmem:s21+$0x0];
	(v2sf) =	vpush v11, $0x0;
	s25 =	spop (v2sf)  }
0x41: {  	v20 =	vld [tilespmem:s22+$0x0];
	(v2sf) =	vpush v13, $0x0;
	s26 =	spop (v2sf)  }
0x42: {  	v21 =	vld [tilespmem:s23+$0x0];
	s28 =	spop (v2sf);
	(v2sf) =	vpush v4, $0x4  }
0x43: {  	v10 =	vld [tilespmem:s24+$0x0];
	(v2sf) =	vpush v11, $0x1;
	s29 =	spop (v2sf)  }
0x44: {  	v22 =	vld [tilespmem:s25+$0x0];
	(v2sf) =	vpush v13, $0x1;
	s30 =	spop (v2sf)  }
0x45: {  	v23 =	vld [tilespmem:s26+$0x0];
	s31 =	spop (v2sf);
	(v2sf) =	vpush v5, $0x5  }
0x46: {  	v12 =	vld [tilespmem:s28+$0x0];
	(v2sf) =	vpush v11, $0x4;
	s20 =	spop (v2sf)  }
0x47: {  	v24 =	vld [tilespmem:s29+$0x0];
	(v2sf) =	vpush v13, $0x4;
	s21 =	spop (v2sf)  }
0x48: {  	v25 =	vld [tilespmem:s30+$0x0];
	s22 =	spop (v2sf);
	(v2sf) =	vpush v4, $0x5  }
0x49: {  	v26 =	vld [tilespmem:s31+$0x0];
	s23 =	spop (v2sf);
	(v2sf) =	vpush v11, $0x7  }
0x4a: {  	v27 =	vld [tilespmem:s20+$0x0];
	s24 =	spop (v2sf);
	(v2sf) =	vpush v13, $0x7  }
0x4b: {  	v14 =	vmul.f32 v15, v14;
	v28 =	vld [tilespmem:s21+$0x0];
	s25 =	spop (v2sf);
	(v2sf) =	vpush v5, $0x6  }
0x4c: {  	v29 =	vld [tilespmem:s22+$0x0];
	s26 =	spop (v2sf);
	(v2sf) =	vpush v11, $0xA  }
0x4d: {  	v14 =	vmul.f32 v14, v14;
	v30 =	vld [tilespmem:s23+$0x0];
	s28 =	spop (v2sf);
	(v2sf) =	vpush v13, $0xA  }
0x4e: {  	v16 =	vmul.f32 v17, v16;
	v17 =	vmul.f32 v19, v18;
	v31 =	vld [tilespmem:s24+$0x0];
	s29 =	spop (v2sf);
	(v2sf) =	vpush v4, $0x6  }
0x4f: {  	v32 =	vld [tilespmem:s25+$0x0];
	s30 =	spop (v2sf);
	(v2sf) =	vpush v11, $0xD  }
0x50: {  	(xrf2) =	vadd.scan.msk.f32 $0xffff, v14;
	v16 =	vmul.f32 v16, v16;
	v14 =	vmul.f32 v17, v17;
	v33 =	vld [tilespmem:s26+$0x0];
	s31 =	spop (v2sf);
	(v2sf) =	vpush v13, $0xD  }
0x51: {  	v19 =	vmul.f32 v21, v20;
	v17 =	vmul.f32 v23, v22;
	v34 =	vld [tilespmem:s28+$0x0];
	s20 =	spop (v2sf);
	(v2sf) =	vpush v5, $0x7  }
0x52: {  	(xrf2) =	vadd.scan.msk.f32 $0xffff, v16;
	v15 =	vld [tilespmem:s30+$0x0];
	(v2sf) =	vpush v4, $0x7;
	s21 =	spop (v2sf)  }
0x53: {  	(xrf2) =	vadd.scan.msk.f32 $0xffff, v14;
	v16 =	vmul.f32 v19, v19;
	v14 =	vmul.f32 v17, v17;
	(v2sf) =	vpush v11, $0xF;
	v11 =	vld [tilespmem:s31+$0x0];
	s22 =	spop (v2sf)  }
0x54: {  	v19 =	vmul.f32 v25, v24;
	v17 =	vmul.f32 v28, v27;
	s23 =	spop (v2sf);
	(v2sf) =	vpush v13, $0xF;
	v13 =	vld [tilespmem:s21+$0x0]  }
0x55: {  	(xrf2) =	vadd.scan.msk.f32 $0xffff, v16;
	v42 =	vld [tilespmem:s22+$0x0];
	s24 =	spop (v2sf)  }
0x56: {  	(xrf2) =	vadd.scan.msk.f32 $0xffff, v14;
	v16 =	vmul.f32 v19, v19;
	v35 =	vld [tilespmem:s29+$0x0];
	v14 =	vmul.f32 v17, v17;
	s25 =	spop (v2sf)  }
0x57: {  	v19 =	vmul.f32 v31, v30;
	v17 =	vmul.f32 v34, v33;
	v44 =	vld [tilespmem:s24+$0x0];
	s26 =	spop (v2sf);
	(v2sf) =	vpush v5, $0x8  }
0x58: {  	(xrf2) =	vadd.scan.msk.f32 $0xffff, v16;
	v45 =	vld [tilespmem:s25+$0x0];
	s28 =	spop (v2sf);
	(v2sf) =	vpush v4, $0x8;
	v11 =	vmul.f32 v11, v15  }
0x59: {  	(xrf2) =	vadd.scan.msk.f32 $0xffff, v14;
	v16 =	vmul.f32 v19, v19;
	v14 =	vmul.f32 v17, v17;
	s29 =	spop (v2sf);
	(v2sf) =	vpush v5, $0x9;
	v15 =	vld [tilespmem:s28+$0x0]  }
0x5a: {  	v13 =	vmul.f32 v42, v13;
	s30 =	spop (v2sf);
	(v2sf) =	vpush v4, $0x9;
	v17 =	vld [tilespmem:s29+$0x0];
	v11 =	vmul.f32 v11, v11  }
0x5b: {  	(xrf2) =	vadd.scan.msk.f32 $0xffff, v16;
	s31 =	spop (v2sf);
	(v2sf) =	vpush v5, $0xA  }
0x5c: {  	v18 =	vld [tilespmem:s20+$0x0];
	(xrf2) =	vadd.scan.msk.f32 $0xffff, v14;
	v13 =	vmul.f32 v13, v13;
	s20 =	spop (v2sf);
	(v2sf) =	vpush v4, $0xA  }
0x5d: {  	(xrf2) =	vadd.scan.msk.f32 $0xffff, v11;
	v19 =	vmul.f32 v45, v44;
	s21 =	spop (v2sf);
	(v2sf) =	vpush v5, $0xB  }
0x5e: {  	v6 =	vld.idx.msk [tilespmem:v1+s9+$0x0], $0xffff;
	v7 =	vmul.f32 v7, v9;
	s22 =	spop (v2sf);
	(v2sf) =	vpush v4, $0xB;
	v11, _, _ =	vpop (xrf2);
	(xrf2) =	vadd.scan.msk.f32 $0xffff, v13  }
0x5f: {  	v43 =	vld [tilespmem:s23+$0x0];
	v9 =	vmul.f32 v19, v19;
	s23 =	spop (v2sf);
	(v2sf) =	vpush v5, $0xC;
	v48, _, _ =	vpop (xrf2);
	v15 =	vmul.f32 v17, v15  }
0x60: {  	v14 =	vld [tilespmem:s31+$0x0];
	s24 =	spop (v2sf);
	(v2sf) =	vpush v4, $0xC;
	v49, _, _ =	vpop (xrf2)  }
0x61: {  	v8 =	vmul.f32 v10, v8;
	v47 =	vld [tilespmem:s20+$0x0];
	(xrf2) =	vadd.scan.msk.f32 $0xffff, v9;
	s25 =	spop (v2sf);
	(v2sf) =	vpush v5, $0xD;
	v10, _, _ =	vpop (xrf2);
	v15 =	vmul.f32 v15, v15  }
0x62: {  	v46 =	vld [tilespmem:s26+$0x0];
	s26 =	spop (v2sf);
	(v2sf) =	vpush v4, $0xD;
	v50, _, _ =	vpop (xrf2)  }
0x63: {  	v51 =	vld.idx.msk [tilespmem:v2+s9+$0x0], $0xffff;
	(v2sf) =	vpush v5, $0xE;
	v52, _, _ =	vpop (xrf2)  }
0x64: {  	v19 =	vld [tilespmem:s22+$0x0];
	s28 =	spop (v2sf);
	(v2sf) =	vpush v4, $0xE;
	v55, _, _ =	vpop (xrf2)  }
0x65: {  	v17 =	vld [tilespmem:s23+$0x0];
	(xrf2) =	vadd.scan.msk.f32 $0xffff, v15;
	(v2sf) =	vpush v5, $0xF;
	v15, _, _ =	vpop (xrf2)  }
0x66: {  	v16 =	vld [tilespmem:s30+$0x0];
	v14 =	vmul.f32 v47, v14;
	s29 =	spop (v2sf);
	(v2sf) =	vpush v4, $0xF;
	v4, _, _ =	vpop (xrf2)  }
0x67: {  	v6 =	vmul.f32 v6, v6;
	v13 =	vld [tilespmem:s21+$0x0];
	v57, _, _ =	vpop (xrf2)  }
0x68: {  	vm15 =	veq.s32 v2, v3;
	v12 =	vmul.f32 v26, v12;
	v9 =	vld [tilespmem:s26+$0x0];
	v14 =	vmul.f32 v14, v14;
	v2, _, _ =	vpop (xrf2)  }
0x69: {  	v53 =	vld [tilespmem:s28+$0x0];
	v3 =	vbroadcast v57, $0xF;
	v2 =	vbroadcast v2, $0xF  }
0x6a: {  	v56 =	vld [tilespmem:s25+$0x0];
	v17 =	vmul.f32 v17, v19;
	v4 =	vbroadcast v4, $0xF  }
0x6b: {  	v26 =	vmul.f32 v51, v51;
	v5 =	vld [tilespmem:s24+$0x0];
	s30 =	spop (v2sf);
	(xrf2) =	vadd.scan.msk.f32 $0xffff, v14;
	v2 =	vsel vm0, v3, v2;
	v3 =	vbroadcast v15, $0xF;
	v15, _, _ =	vpop (xrf2)  }
0x6c: {  	v19 =	vld [tilespmem:s29+$0x0];
	v17 =	vmul.f32 v17, v17;
	s31 =	spop (v2sf);
	v2 =	vsel vm1, v2, v4;
	v4 =	vbroadcast v15, $0xF  }
0x6d: {  	v7 =	vmul.f32 v7, v7;
	v8 =	vmul.f32 v8, v8;
	v14 =	vld [tilespmem:s30+$0x0];
	s18 =	spop (v2sf)  }
0x6e: {  	v26 =	vnsel vm15, $0x0, v26;
	vm15 =	veq.s32 v1, v0;
	v9 =	vmul.f32 v53, v9;
	v58 =	vld [tilespmem:s31+$0x0];
	(xrf2) =	vadd.scan.msk.f32 $0xffff, v17;
	s19 =	spop (v2sf)  }
0x6f: {  	v54 =	vmul.f32 v32, v29;
	v13 =	vmul.f32 v13, v16;
	v59 =	vld [tilespmem:s18+$0x0];
	s20 =	spop (v2sf);
	v2 =	vsel vm2, v2, v3  }
0x70: {  	v0 =	vld [tilespmem:s19+$0x0];
	v9 =	vmul.f32 v9, v9;
	s21 =	spop (v2sf);
	v15 =	vbroadcast v55, $0xF;
	v2 =	vsel vm3, v2, v4;
	v4, _, _ =	vpop (xrf2)  }
0x71: {  	v16 =	vld [tilespmem:s20+$0x0];
	s22 =	spop (v2sf);
	v3 =	vmul.f32 v13, v13;
	v13 =	vbroadcast v4, $0xF  }
0x72: {  	v12 =	vmul.f32 v12, v12;
	v27 =	vbroadcast v52, $0xF;
	v17 =	vld [tilespmem:s21+$0x0];
	s23 =	spop (v2sf)  }
0x73: {  	v28 =	vmul.f32 v54, v54;
	v18 =	vmul.f32 v18, v35;
	(xrf2) =	vadd.scan.msk.f32 $0xffff, v9;
	v60 =	vld [tilespmem:s22+$0x0];
	s24 =	spop (v2sf);
	v2 =	vsel vm4, v2, v15  }
0x74: {  	v5 =	vmul.f32 v56, v5;
	v61 =	vld [tilespmem:s23+$0x0];
	v15 =	vbroadcast v50, $0xF;
	s25 =	spop (v2sf);
	v2 =	vsel vm5, v2, v27  }
0x75: {  	v10 =	vbroadcast v10, $0xF;
	(xrf2) =	vadd.scan.msk.f32 $0xffff, v7;
	v7 =	vmul.f32 v14, v19;
	v9 =	vld [tilespmem:s24+$0x0];
	s26 =	spop (v2sf);
	v2 =	vsel vm6, v2, v13;
	v13, _, _ =	vpop (xrf2)  }
0x76: {  	v4 =	vmul.f32 v5, v5;
	v5 =	vld [tilespmem:s25+$0x0];
	s28 =	spop (v2sf);
	v2 =	vsel vm7, v2, v15;
	(xrf2) =	vadd.scan.msk.f32 $0xffff, v8;
	v13 =	vbroadcast v13, $0xF  }
0x77: {  	v19 =	vld [tilespmem:s26+$0x0];
	s29 =	spop (v2sf);
	v15 =	vmul.f32 v7, v7;
	v7 =	vbroadcast v49, $0xF;
	v2 =	vsel vm8, v2, v10  }
0x78: {  	v62 =	vld [tilespmem:s28+$0x0];
	s30 =	spop (v2sf);
	v8 =	vmul.f32 v59, v58;
	v14, _, _ =	vpop (xrf2);
	v2 =	vsel vm9, v2, v13;
	v13 =	vbroadcast v48, $0xF  }
0x79: {  	v11 =	vbroadcast v11, $0xF;
	s31 =	spop (v2sf);
	v63 =	vld [tilespmem:s30+$0x0];
	(xrf2) =	vadd.scan.msk.f32 $0xffff, v12;
	v2 =	vsel vm10, v2, v7;
	v7 =	vbroadcast v14, $0xF  }
0x7a: {  	v0 =	vmul.f32 v16, v0;
	v16 =	vmul.f32 v8, v8;
	v8 =	vld [tilespmem:s31+$0x0];
	v2 =	vsel vm11, v2, v13  }
0x7b: {  	v1 =	vmul.f32 v18, v18;
	v21 =	vmul.f32 v46, v43;
	v10 =	vld [tilespmem:s29+$0x0];
	v2 =	vsel vm12, v2, v7  }
0x7c: {  	(xrf2) =	vadd.scan.msk.f32 $0xffff, v28;
	v14 =	vmul.f32 v0, v0;
	v0 =	vmul.f32 v9, v61;
	v2 =	vsel vm13, v2, v11  }
0x7d: {  	v18 =	vmul.f32 v21, v21;
	v5 =	vmul.f32 v19, v5;
	v7, _, _ =	vpop (xrf2)  }
0x7e: {  	v17 =	vmul.f32 v60, v17;
	v11 =	vmul.f32 v0, v0;
	v0 =	vsel vm14, v2, v7  }
0x7f: {  	v8 =	vmul.f32 v8, v63;
	v7 =	vmul.f32 v5, v5;
	v5 =	vadd.f32 v0, v26;
	v2, _, _ =	vpop (xrf2);
	(xrf2) =	vadd.scan.msk.f32 $0xffff, v1  }
0x80: {  	s17 =	simm.s32 $0x4690;
	v9 =	vmul.f32 v10, v62;
	v2 =	vbroadcast v2, $0xF;
	v1, _, _ =	vpop (xrf2)  }
0x81: {  	[tilespmem:s17+$0x0] =	vst v5;
	v5 =	vmul.f32 v8, v8;
	v8 =	vbroadcast v1, $0xF  }
0x82: {  	s18 =	simm.s32 $0x0;
	s19 =	simm.s32 $0x42B0;
	v13 =	vmul.f32 v17, v17;
	v0 =	vnsel vm15, $0x0, v6;
	v6 =	vmul.f32 v9, v9;
	(xrf2) =	vadd.scan.msk.f32 $0xffff, v18  }
.LBB2_2:
0x83: {  	v1 =	vld [tilespmem:s19+$0x0];
	v8 =	vsel vm0, v2, v8;
	s16 =	sadd.s32 $0x20, s16;
	v9, _, _ =	vpop (xrf2)  }
0x84: {  	v2 =	vld [tilespmem:s16+$0x0];
	v9 =	vbroadcast v9, $0xF  }
0x85: {  	v10 =	vld [tilespmem:s16+$0xFFFFFFF0];
	(xrf2) =	vadd.scan.msk.f32 $0xffff, v3  }
0x86: {  	v12 =	vld [tilespmem:s19+$0xFFFFFFF0];
	v3 =	vsel vm1, v8, v9;
	v8, _, _ =	vpop (xrf2)  }
0x87: {  	v17 =	vbroadcast v8, $0xF  }
0x88: {  	v9 =	vshll.u32 v1, $0x4;
	(xrf2) =	vadd.scan.msk.f32 $0xffff, v4  }
0x89: {  	v8 =	vshll.u32 v2, $0x4;
	(v2sf) =	vpush v9, $0xE;
	v17 =	vsel vm2, v3, v17;
	v4, _, _ =	vpop (xrf2)  }
0x8a: {  	v3 =	vshll.u32 v10, $0x4;
	(v2sf) =	vpush v8, $0xE;
	v18 =	vbroadcast v4, $0xF  }
0x8b: {  	v4 =	vshll.u32 v12, $0x4;
	vm15 =	veq.s32 v12, v10;
	(v2sf) =	vpush v3, $0x0;
	(xrf2) =	vadd.scan.msk.f32 $0xffff, v15  }
0x8c: {  	(v2sf) =	vpush v9, $0xC;
	v10 =	vsel vm3, v17, v18;
	v15, _, _ =	vpop (xrf2)  }
0x8d: {  	(v2sf) =	vpush v8, $0xC;
	v17 =	vbroadcast v15, $0xF  }
0x8e: {  	v12 =	vld.idx.msk [tilespmem:v12+s9+$0x0], $0xffff;
	(v2sf) =	vpush v4, $0x0;
	(xrf2) =	vadd.scan.msk.f32 $0xffff, v16  }
0x8f: {  	(v2sf) =	vpush v9, $0xB;
	v10 =	vsel vm4, v10, v17;
	v15, _, _ =	vpop (xrf2)  }
0x90: {  	(v2sf) =	vpush v8, $0xB;
	v15 =	vbroadcast v15, $0xF  }
0x91: {  	(v2sf) =	vpush v4, $0x1;
	(xrf2) =	vadd.scan.msk.f32 $0xffff, v14  }
0x92: {  	(v2sf) =	vpush v9, $0x9;
	v10 =	vsel vm5, v10, v15;
	v14, _, _ =	vpop (xrf2)  }
0x93: {  	(v2sf) =	vpush v8, $0x9;
	v15 =	vbroadcast v14, $0xF  }
0x94: {  	v12 =	vmul.f32 v12, v12;
	(v2sf) =	vpush v3, $0x1;
	(xrf2) =	vadd.scan.msk.f32 $0xffff, v13  }
0x95: {  	(v2sf) =	vpush v9, $0x8;
	v13 =	vsel vm6, v10, v15;
	v14, _, _ =	vpop (xrf2)  }
0x96: {  	v10 =	vnsel vm15, $0x0, v12;
	(v2sf) =	vpush v8, $0x8;
	v14 =	vbroadcast v14, $0xF  }
0x97: {  	(v2sf) =	vpush v4, $0x2;
	(xrf2) =	vadd.scan.msk.f32 $0xffff, v11  }
0x98: {  	(v2sf) =	vpush v9, $0x6;
	s20 =	spop (v2sf);
	v11 =	vsel vm7, v13, v14;
	v12, _, _ =	vpop (xrf2)  }
0x99: {  	v13 =	vld [tilespmem:s20+$0x0];
	(v2sf) =	vpush v8, $0x6;
	s20 =	spop (v2sf);
	v15 =	vbroadcast v12, $0xF  }
0x9a: {  	v14 =	vld [tilespmem:s20+$0x0];
	s20 =	spop (v2sf);
	(v2sf) =	vpush v3, $0x2;
	(xrf2) =	vadd.scan.msk.f32 $0xffff, v7  }
0x9b: {  	v7 =	vld [tilespmem:s20+$0x0];
	(v2sf) =	vpush v9, $0x5;
	s20 =	spop (v2sf);
	v11 =	vsel vm8, v11, v15;
	v12, _, _ =	vpop (xrf2)  }
0x9c: {  	v15 =	vld [tilespmem:s20+$0x0];
	(v2sf) =	vpush v8, $0x5;
	s20 =	spop (v2sf);
	v17 =	vbroadcast v12, $0xF  }
0x9d: {  	v16 =	vld [tilespmem:s20+$0x0];
	s20 =	spop (v2sf);
	(v2sf) =	vpush v4, $0x3;
	(xrf2) =	vadd.scan.msk.f32 $0xffff, v6  }
0x9e: {  	v6 =	vld [tilespmem:s20+$0x0];
	(v2sf) =	vpush v9, $0x3;
	s20 =	spop (v2sf);
	v11 =	vsel vm9, v11, v17;
	v12, _, _ =	vpop (xrf2)  }
0x9f: {  	v17 =	vld [tilespmem:s20+$0x0];
	v13 =	vmul.f32 v14, v13;
	(v2sf) =	vpush v8, $0x3;
	s20 =	spop (v2sf);
	v19 =	vbroadcast v12, $0xF  }
0xa0: {  	v14 =	vld [tilespmem:s20+$0x0];
	s20 =	spop (v2sf);
	(v2sf) =	vpush v3, $0x3;
	(xrf2) =	vadd.scan.msk.f32 $0xffff, v5  }
0xa1: {  	v18 =	vld [tilespmem:s20+$0x0];
	v5 =	vmul.f32 v13, v13;
	(v2sf) =	vpush v9, $0x2;
	s20 =	spop (v2sf);
	v11 =	vsel vm10, v11, v19;
	v12, _, _ =	vpop (xrf2)  }
0xa2: {  	s18 =	sadd.s32 $0x20, s18;
	v13 =	vld [tilespmem:s20+$0x0];
	v15 =	vmul.f32 v16, v15;
	(v2sf) =	vpush v8, $0x2;
	s20 =	spop (v2sf);
	v19 =	vbroadcast v12, $0xF  }
0xa3: {  	p0 =	slt.u32 s18, $0x1E0;
	v6 =	vmul.f32 v7, v6;
	v7 =	vld [tilespmem:s20+$0x0];
	s20 =	spop (v2sf);
	(v2sf) =	vpush v4, $0x4;
	(xrf2) =	vadd.scan.msk.f32 $0xffff, v5  }
0xa4: {  	v16 =	vld [tilespmem:s20+$0x0];
	v15 =	vmul.f32 v15, v15;
	(v2sf) =	vpush v9, $0x0;
	s20 =	spop (v2sf);
	v11 =	vsel vm11, v11, v19;
	v12, _, _ =	vpop (xrf2)  }
0xa5: {  	v5 =	vmul.f32 v6, v6;
	v19 =	vld [tilespmem:s20+$0x0];
	v6 =	vmul.f32 v14, v17;
	(v2sf) =	vpush v8, $0x0;
	s20 =	spop (v2sf)  }
0xa6: {  	v12 =	vbroadcast v12, $0xF;
	v14 =	vld [tilespmem:s20+$0x0];
	s20 =	spop (v2sf);
	(v2sf) =	vpush v3, $0x4;
	(xrf2) =	vadd.scan.msk.f32 $0xffff, v15  }
0xa7: {  	v15 =	vld [tilespmem:s20+$0x0];
	v6 =	vmul.f32 v6, v6;
	(v2sf) =	vpush v9, $0x1;
	s20 =	spop (v2sf);
	v17, _, _ =	vpop (xrf2)  }
0xa8: {  	v20 =	vld [tilespmem:s20+$0x0];
	v7 =	vmul.f32 v7, v13;
	(v2sf) =	vpush v8, $0x1;
	s20 =	spop (v2sf);
	v21 =	vbroadcast v17, $0xF  }
0xa9: {  	v16 =	vmul.f32 v16, v18;
	v17 =	vld [tilespmem:s20+$0x0];
	s20 =	spop (v2sf);
	(v2sf) =	vpush v4, $0x5;
	(xrf2) =	vadd.scan.msk.f32 $0xffff, v6;
	v6 =	vsel vm12, v11, v12  }
0xaa: {  	v11 =	vld [tilespmem:s20+$0x0];
	v22 =	vmul.f32 v7, v7;
	(v2sf) =	vpush v9, $0x4;
	s20 =	spop (v2sf);
	v12 =	vsel vm13, v6, v21;
	v13, _, _ =	vpop (xrf2)  }
0xab: {  	v6 =	vmul.f32 v16, v16;
	v16 =	vld [tilespmem:s20+$0x0];
	v14 =	vmul.f32 v14, v19;
	(v2sf) =	vpush v8, $0x4;
	s20 =	spop (v2sf)  }
0xac: {  	v12 =	vsel vm14, v12, v13;
	v18 =	vld [tilespmem:s20+$0x0];
	s20 =	spop (v2sf);
	(v2sf) =	vpush v3, $0x5;
	(xrf2) =	vadd.scan.msk.f32 $0xffff, v22  }
0xad: {  	v12 =	vadd.f32 v12, v0;
	v19 =	vld [tilespmem:s20+$0x0];
	v13 =	vmul.f32 v14, v14;
	s20 =	spop (v2sf);
	(v2sf) =	vpush v9, $0x7;
	v7, _, _ =	vpop (xrf2)  }
0xae: {  	v0 =	vmov v10;
	v14 =	vld [tilespmem:s20+$0x0];
	v17 =	vmul.f32 v17, v20;
	s20 =	spop (v2sf);
	(v2sf) =	vpush v8, $0x7  }
0xaf: {  	v10 =	vmul.f32 v11, v15;
	v15 =	vld [tilespmem:s20+$0x0];
	s20 =	spop (v2sf);
	(v2sf) =	vpush v4, $0x6;
	(xrf2) =	vadd.scan.msk.f32 $0xffff, v13;
	[tilespmem:s17+$0xFFFFFFF0] =	vst v12  }
0xb0: {  	v12 =	vld [tilespmem:s20+$0x0];
	v21 =	vmul.f32 v17, v17;
	s20 =	spop (v2sf);
	(v2sf) =	vpush v9, $0xA;
	v11, _, _ =	vpop (xrf2)  }
0xb1: {  	v10 =	vmul.f32 v10, v10;
	v17 =	vld [tilespmem:s20+$0x0];
	v16 =	vmul.f32 v18, v16;
	s20 =	spop (v2sf);
	(v2sf) =	vpush v8, $0xA  }
0xb2: {  	v18 =	vld [tilespmem:s20+$0x0];
	s20 =	spop (v2sf);
	(v2sf) =	vpush v3, $0x6;
	(xrf2) =	vadd.scan.msk.f32 $0xffff, v21  }
0xb3: {  	v20 =	vld [tilespmem:s20+$0x0];
	v16 =	vmul.f32 v16, v16;
	s20 =	spop (v2sf);
	v13, _, _ =	vpop (xrf2);
	(v2sf) =	vpush v9, $0xD  }
0xb4: {  	v21 =	vld [tilespmem:s20+$0x0];
	v22 =	vmul.f32 v15, v14;
	s20 =	spop (v2sf);
	(v2sf) =	vpush v8, $0xD  }
0xb5: {  	v12 =	vmul.f32 v12, v19;
	v15 =	vld [tilespmem:s20+$0x0];
	s20 =	spop (v2sf);
	(v2sf) =	vpush v4, $0x7;
	(xrf2) =	vadd.scan.msk.f32 $0xffff, v16  }
0xb6: {  	v19 =	vld [tilespmem:s20+$0x0];
	v23 =	vmul.f32 v22, v22;
	(v2sf) =	vpush v3, $0x7;
	s20 =	spop (v2sf);
	v14, _, _ =	vpop (xrf2)  }
0xb7: {  	v12 =	vmul.f32 v12, v12;
	v22 =	vld [tilespmem:s20+$0x0];
	v17 =	vmul.f32 v18, v17;
	s20 =	spop (v2sf);
	(v2sf) =	vpush v9, $0xF  }
0xb8: {  	v9 =	vld [tilespmem:s20+$0x0];
	s20 =	spop (v2sf);
	(xrf2) =	vadd.scan.msk.f32 $0xffff, v23;
	(v2sf) =	vpush v8, $0xF  }
0xb9: {  	v18 =	vld [tilespmem:s20+$0x0];
	v8 =	vmul.f32 v17, v17;
	(v2sf) =	vpush v4, $0x8;
	s20 =	spop (v2sf);
	v16, _, _ =	vpop (xrf2)  }
0xba: {  	v15 =	vmul.f32 v15, v21;
	v17 =	vld [tilespmem:s20+$0x0];
	(v2sf) =	vpush v3, $0x8;
	s20 =	spop (v2sf)  }
0xbb: {  	v19 =	vmul.f32 v19, v20;
	v20 =	vld [tilespmem:s20+$0x0];
	s20 =	spop (v2sf);
	(v2sf) =	vpush v4, $0x9;
	(xrf2) =	vadd.scan.msk.f32 $0xffff, v8  }
0xbc: {  	v21 =	vld [tilespmem:s20+$0x0];
	v15 =	vmul.f32 v15, v15;
	(v2sf) =	vpush v3, $0x9;
	v23, _, _ =	vpop (xrf2);
	s20 =	spop (v2sf)  }
0xbd: {  	v8 =	vmul.f32 v19, v19;
	v9 =	vmul.f32 v9, v22;
	v19 =	vld [tilespmem:s20+$0x0];
	(v2sf) =	vpush v4, $0xA;
	s20 =	spop (v2sf)  }
0xbe: {  	v22 =	vld [tilespmem:s20+$0x0];
	s20 =	spop (v2sf);
	(v2sf) =	vpush v3, $0xA;
	(xrf2) =	vadd.scan.msk.f32 $0xffff, v15  }
0xbf: {  	v15 =	vld [tilespmem:s20+$0x0];
	v9 =	vmul.f32 v9, v9;
	(v2sf) =	vpush v4, $0xB;
	v24, _, _ =	vpop (xrf2);
	s20 =	spop (v2sf)  }
0xc0: {  	v17 =	vmul.f32 v20, v17;
	v20 =	vld [tilespmem:s20+$0x0];
	(v2sf) =	vpush v3, $0xB;
	s20 =	spop (v2sf)  }
0xc1: {  	v18 =	vmul.f32 v21, v18;
	v21 =	vld [tilespmem:s20+$0x0];
	s20 =	spop (v2sf);
	(v2sf) =	vpush v4, $0xC;
	(xrf2) =	vadd.scan.msk.f32 $0xffff, v9  }
0xc2: {  	v25 =	vld [tilespmem:s20+$0x0];
	v17 =	vmul.f32 v17, v17;
	(v2sf) =	vpush v3, $0xC;
	v26, _, _ =	vpop (xrf2);
	s20 =	spop (v2sf)  }
0xc3: {  	v9 =	vmul.f32 v18, v18;
	v18 =	vmul.f32 v22, v19;
	v19 =	vld [tilespmem:s20+$0x0];
	(v2sf) =	vpush v4, $0xD;
	s20 =	spop (v2sf)  }
0xc4: {  	v22 =	vld [tilespmem:s20+$0x0];
	s20 =	spop (v2sf);
	(v2sf) =	vpush v3, $0xD;
	(xrf2) =	vadd.scan.msk.f32 $0xffff, v17  }
0xc5: {  	v17 =	vld [tilespmem:s20+$0x0];
	v18 =	vmul.f32 v18, v18;
	s20 =	spop (v2sf);
	(v2sf) =	vpush v4, $0xE;
	v27, _, _ =	vpop (xrf2)  }
0xc6: {  	v28 =	vld [tilespmem:s20+$0x0];
	v29 =	vmul.f32 v21, v20;
	(v2sf) =	vpush v3, $0xE;
	s20 =	spop (v2sf)  }
0xc7: {  	v15 =	vmul.f32 v25, v15;
	v21 =	vld [tilespmem:s20+$0x0];
	(v2sf) =	vpush v4, $0xF;
	(xrf2) =	vadd.scan.msk.f32 $0xffff, v18;
	s20 =	spop (v2sf)  }
0xc8: {  	v4 =	vmul.f32 v29, v29;
	v18 =	vld [tilespmem:s20+$0x0];
	s20 =	spop (v2sf);
	(v2sf) =	vpush v3, $0xF;
	v20, _, _ =	vpop (xrf2)  }
0xc9: {  	v3 =	vmul.f32 v15, v15;
	v15 =	vld [tilespmem:s20+$0x0];
	v19 =	vmul.f32 v22, v19;
	s20 =	spop (v2sf)  }
0xca: {  	v22 =	vld [tilespmem:s20+$0x0];
	s20 =	spop (v2sf);
	(xrf2) =	vadd.scan.msk.f32 $0xffff, v4  }
0xcb: {  	v4 =	vmul.f32 v28, v17;
	v17 =	vld [tilespmem:s20+$0x0];
	v19 =	vmul.f32 v19, v19;
	s20 =	spop (v2sf);
	v25, _, _ =	vpop (xrf2)  }
0xcc: {  	v20 =	vbroadcast v20, $0xF;
	v28 =	vld [tilespmem:s20+$0x0];
	v30 =	vbroadcast v25, $0xF;
	s20 =	spop (v2sf)  }
0xcd: {  	v27 =	vbroadcast v27, $0xF;
	v29 =	vld [tilespmem:s20+$0x0];
	v18 =	vmul.f32 v18, v21;
	s20 =	spop (v2sf);
	(xrf2) =	vadd.scan.msk.f32 $0xffff, v19  }
0xce: {  	v4 =	vmul.f32 v4, v4;
	v21 =	vbroadcast v26, $0xF;
	v19 =	vld [tilespmem:s20+$0x0];
	v20 =	vsel vm0, v20, v30;
	s20 =	spop (v2sf);
	v25, _, _ =	vpop (xrf2)  }
0xcf: {  	v26 =	vld [tilespmem:s20+$0x0];
	v20 =	vsel vm1, v20, v27;
	v27 =	vbroadcast v25, $0xF;
	v18 =	vmul.f32 v18, v18;
	s20 =	spop (v2sf)  }
0xd0: {  	v15 =	vmul.f32 v22, v15;
	v22 =	vld [tilespmem:s20+$0x0];
	v20 =	vsel vm2, v20, v21;
	v21 =	vbroadcast v24, $0xF;
	s20 =	spop (v2sf)  }
0xd1: {  	v23 =	vbroadcast v23, $0xF;
	v17 =	vmul.f32 v28, v17;
	v24 =	vld [tilespmem:s20+$0x0];
	v20 =	vsel vm3, v20, v27;
	s20 =	spop (v2sf);
	v25, _, _ =	vpop (xrf2);
	(xrf2) =	vadd.scan.msk.f32 $0xffff, v18  }
0xd2: {  	v15 =	vmul.f32 v15, v15;
	v18 =	vld [tilespmem:s20+$0x0];
	v20 =	vsel vm4, v20, v21;
	v21 =	vbroadcast v25, $0xF;
	s20 =	spop (v2sf)  }
0xd3: {  	v19 =	vmul.f32 v19, v29;
	v25 =	vld [tilespmem:s20+$0x0];
	v20 =	vsel vm5, v20, v23;
	v23 =	vbroadcast v16, $0xF;
	s20 =	spop (v2sf)  }
0xd4: {  	v16 =	vmul.f32 v17, v17;
	v17 =	vsel vm6, v20, v21;
	v20 =	vbroadcast v14, $0xF;
	v21 =	vld.idx.msk [tilespmem:v1+s9+$0x0], $0xffff;
	(xrf2) =	vadd.scan.msk.f32 $0xffff, v5;
	s21 =	spop (v2sf);
	v5, _, _ =	vpop (xrf2)  }
0xd5: {  	v22 =	vmul.f32 v22, v26;
	v26 =	vld [tilespmem:s20+$0x0];
	v17 =	vsel vm7, v17, v23;
	v5 =	vbroadcast v5, $0xF;
	s20 =	spop (v2sf)  }
0xd6: {  	v14 =	vmul.f32 v19, v19;
	v19 =	vld [tilespmem:s21+$0x0];
	v17 =	vsel vm8, v17, v20;
	v20 =	vbroadcast v13, $0xF;
	s21 =	spop (v2sf)  }
0xd7: {  	v18 =	vmul.f32 v18, v24;
	v23 =	vld [tilespmem:s20+$0x0];
	v5 =	vsel vm9, v17, v5;
	v17 =	vbroadcast v11, $0xF;
	(xrf2) =	vadd.scan.msk.f32 $0xffff, v6;
	s20 =	spop (v2sf);
	v6, _, _ =	vpop (xrf2)  }
0xd8: {  	v13 =	vmul.f32 v22, v22;
	v22 =	vld [tilespmem:s21+$0x0];
	v5 =	vsel vm10, v5, v20;
	v6 =	vbroadcast v6, $0xF  }
0xd9: {  	v7 =	vbroadcast v7, $0xF;
	v11 =	vmul.f32 v18, v18;
	v18 =	vld [tilespmem:s20+$0x0];
	v5 =	vsel vm11, v5, v17  }
0xda: {  	v17 =	vmul.f32 v26, v25;
	v5 =	vsel vm12, v5, v6;
	v6 =	vmul.f32 v21, v21;
	(xrf2) =	vadd.scan.msk.f32 $0xffff, v10  }
0xdb: {  	vm15 =	veq.s32 v1, v2;
	v5 =	vsel vm13, v5, v7;
	v1, _, _ =	vpop (xrf2)  }
0xdc: {  	v10 =	vmul.f32 v23, v19;
	v1 =	vsel vm14, v5, v1;
	v5 =	vnsel vm15, $0x0, v6  }
0xdd: {  	v7 =	vmul.f32 v17, v17;
	v1 =	vadd.f32 v1, v5;
	(xrf2) =	vadd.scan.msk.f32 $0xffff, v12  }
0xde: {  	s17 =	sadd.s32 $0x20, s17;
	v6 =	vmul.f32 v10, v10;
	v5 =	vmul.f32 v18, v22;
	v2, _, _ =	vpop (xrf2)  }
.Ltmp0:
0xdf: {  	v2 =	vbroadcast v2, $0xF;
	[tilespmem:s17+$0x0] =	vst v1;
	(pc) =	sbr.rel @p0 .LBB2_2-.Ltmp0, $4  }
0xe0: {  	v5 =	vmul.f32 v5, v5;
	(xrf2) =	vadd.scan.msk.f32 $0xffff, v8  }
0xe1: {  	v1, _, _ =	vpop (xrf2)  }
0xe2: {  	v8 =	vbroadcast v1, $0xF  }
0xe3: {  	s19 =	sadd.s32 $0x20, s19;
	(xrf2) =	vadd.scan.msk.f32 $0xffff, v9  }
0xe4: {  	(xrf2) =	vadd.scan.msk.f32 $0xffff, v3  }
0xe5: {  	(xrf2) =	vadd.scan.msk.f32 $0xffff, v4  }
0xe6: {  	(xrf2) =	vadd.scan.msk.f32 $0xffff, v15  }
0xe7: {  	(xrf2) =	vadd.scan.msk.f32 $0xffff, v16  }
0xe8: {  	(xrf2) =	vadd.scan.msk.f32 $0xffff, v14  }
0xe9: {  	(xrf2) =	vadd.scan.msk.f32 $0xffff, v13  }
0xea: {  	v1, _, _ =	vpop (xrf2);
	(xrf2) =	vadd.scan.msk.f32 $0xffff, v11  }
0xeb: {  	v1 =	vbroadcast v1, $0xF;
	v40, _, _ =	vpop (xrf2);
	(xrf2) =	vadd.scan.msk.f32 $0xffff, v7  }
0xec: {  	v2 =	vsel vm0, v2, v8;
	v3 =	vbroadcast v40, $0xF;
	v41, _, _ =	vpop (xrf2);
	(xrf2) =	vadd.scan.msk.f32 $0xffff, v6  }
0xed: {  	v1 =	vsel vm1, v2, v1;
	v43 =	vbroadcast v41, $0xF;
	v42, _, _ =	vpop (xrf2)  }
0xee: {  	v1 =	vsel vm2, v1, v3;
	v44, _, _ =	vpop (xrf2);
	v45 =	vbroadcast v42, $0xF  }
0xef: {  	v1 =	vsel vm3, v1, v43;
	(xrf2) =	vadd.scan.msk.f32 $0xffff, v5;
	v46 =	vbroadcast v44, $0xF;
	v47, _, _ =	vpop (xrf2)  }
0xf0: {  	v48, _, _ =	vpop (xrf2);
	v1 =	vsel vm4, v1, v45;
	v49 =	vbroadcast v47, $0xF  }
0xf1: {  	v50, _, _ =	vpop (xrf2);
	v1 =	vsel vm5, v1, v46;
	v51 =	vbroadcast v48, $0xF  }
0xf2: {  	v52, _, _ =	vpop (xrf2);
	v1 =	vsel vm6, v1, v49;
	v53 =	vbroadcast v50, $0xF  }
0xf3: {  	v54, _, _ =	vpop (xrf2);
	v1 =	vsel vm7, v1, v51;
	v55 =	vbroadcast v52, $0xF  }
0xf4: {  	v1 =	vsel vm8, v1, v53;
	v56 =	vbroadcast v54, $0xF;
	v57, _, _ =	vpop (xrf2)  }
0xf5: {  	v1 =	vsel vm9, v1, v55;
	v58 =	vbroadcast v57, $0xF;
	v59, _, _ =	vpop (xrf2)  }
0xf6: {  	v1 =	vsel vm10, v1, v56;
	v60 =	vbroadcast v59, $0xF;
	v61, _, _ =	vpop (xrf2)  }
0xf7: {  	v1 =	vsel vm11, v1, v58;
	v62 =	vbroadcast v61, $0xF  }
0xf8: {  	v1 =	vsel vm12, v1, v60  }
0xf9: {  	v63, _, _ =	vpop (xrf2);
	v1 =	vsel vm13, v1, v62  }
0xfa: {  	v1 =	vsel vm14, v1, v63  }
0xfb: {  	s15 =	sadd.s32 $0x1, s15;
	v0 =	vadd.f32 v1, v0  }
0xfc: {  	p0 =	sne.s32 s15, s8  }
.Ltmp1:
0xfd: {  	[tilespmem:s17+$0xFFFFFFF0] =	vst v0;
	(pc) =	sbr.rel @p0 .LBB2_1-.Ltmp1, $4  }
0xfe: {  	[hbm4b:s7+s1] =	stream.linear.scatter [tilespmem:s13], [sflag:$0x2], $0x200, $0x38;
	[tilespmem:$0x4880] =	vst v63  }
0xff: {  	_ =	swait.ge [sflag:s14], $0x200  }
0x100: {  	[sflag:s14] =	ssyncset.done $0x0  }
0x101: {  	[sflag:s14] =	ssyncadd.s32 $0xFFFFFE00  }
0x102: {  	_ =	sfence.sel $0x180000  }
0x103: {  	[bflag:$0x0] =	sbarrier.arrive $0xFFFF  }
0x104: {  	p0 =	sne.s32 s2, $0x0;
	_ =	strace $0x90000047  }
0x105: {  	s0 =	sadd.s32 @!p0 $0x100000, s0;
	[bflag:$0x2] =	sbarrier.arrive $0xFFFF  }
0x106: {  	[sflag:s0] =	ssyncadd.tile.s32 @!p0 $0x1;
	_ =	shalt  }
.Lfunc_end2:
_tile_overlayer_lowered:
.L_overlay_start_2:
0x107: {  	(tag) =	ssettag $0x2  }
0x108: {  	s0 =	rddreg [dreg:$0x0];
	s2 =	stileid.u32  }
0x109: {  	s1 =	rddreg [dreg:$0x1];
	p0 =	sne.s32 s2, $0x0  }
0x10a: {  	s3 =	rddreg [dreg:$0x2];
	[bflag:$0x3] =	sbarrier.arrive $0xFFFF;
	s2 =	simm.s32 @!p0 $0x1C02  }
0x10b: {  	[timem:s3], [sflag:s2] =	dma.local @!p0 [hbm:s0], s1  }
0x10c: {  	s0 =	simm.s32 @!p0 $0x2  }
0x10d: {  	_ =	swait.ge @!p0 [sflag:s0], s1  }
0x10e: {  	s1 =	ssub.s32 @!p0 $0x0, s1;
	[sflag:s0] =	ssyncset.done @!p0 $0x0  }
0x10f: {  	[sflag:s0] =	ssyncadd.s32 @!p0 s1  }
0x110: {  	[bflag:$0x3] =	sbarrier.arrive $0xFFFF  }
0x111: {  	_ =	shalt  }

</sc_bundles>
